<compile_context>
chip_gen: v7x
topology: tpu7x:2x2x1
jax: 0.10.2.dev20260603
libtpu: 0.0.44.dev20260713+nightly
codegen_flags: <defaults>
</compile_context>

<pallas_src>
import functools

import jax
import jax.numpy as jnp
from jax import lax
from jax.experimental import pallas as pl
from jax.experimental.pallas import tpu as pltpu
from jax.experimental.pallas import tpu_sc as plsc

N = 1024
LANES = 16


def _densify_sc(rows2, cols2, vals2, offs):
    groups = rows2.shape[0]
    capg = min(24, groups)
    info = plsc.get_sparse_core_info()
    num_cores, num_subcores = info.num_cores, info.num_subcores
    num_workers = num_cores * num_subcores
    rows_per_worker = N // num_workers
    mesh = plsc.VectorSubcoreMesh(core_axis_name="c", subcore_axis_name="s")

    @functools.partial(
        pl.kernel,
        mesh=mesh,
        out_type=jax.ShapeDtypeStruct((8, N, 128), jnp.float32),
        compiler_params=pltpu.CompilerParams(needs_layout_passes=False),
        scratch_types=[
            pltpu.VMEM((capg, 128), jnp.int32),
            pltpu.VMEM((capg, 128), jnp.int32),
            pltpu.VMEM((capg, 128), jnp.float32),
            pltpu.VMEM((8, 128), jnp.int32),
            pltpu.VMEM((8, rows_per_worker, 128), jnp.float32),
            pltpu.SemaphoreType.DMA,
        ],
    )
    def body(rows_hbm, cols_hbm, vals_hbm, offs_hbm, a_hbm,
             rows_v, cols_v, vals_v, offs_v, acc_v, sem):
        wid = lax.axis_index("c") * num_subcores + lax.axis_index("s")
        base_row = wid * rows_per_worker

        pltpu.sync_copy(offs_hbm, offs_v)
        start = offs_v[0, pl.ds(wid, LANES)][0]
        end = offs_v[0, pl.ds(wid + 1, LANES)][0]

        g0 = pl.multiple_of((start // 128) & ~7, 8)
        stage = [
            pltpu.async_copy(rows_hbm.at[pl.ds(g0, capg)], rows_v, sem),
            pltpu.async_copy(cols_hbm.at[pl.ds(g0, capg)], cols_v, sem),
            pltpu.async_copy(vals_hbm.at[pl.ds(g0, capg)], vals_v, sem),
        ]

        zero16 = jnp.zeros((LANES,), jnp.float32)

        def zero_row(r, carry):
            for cb in range(8):
                for j in range(128 // LANES):
                    acc_v[cb, r, pl.ds(j * LANES, LANES)] = zero16
            return carry

        lax.fori_loop(0, rows_per_worker, zero_row, 0)
        for h in stage:
            h.wait()

        lane = lax.iota(jnp.int32, LANES)
        lo = start - g0 * 128
        hi = end - g0 * 128

        def edge_chunk(j, carry):
            p = j * LANES + lane
            row = j // 8
            sub = (j % 8) * LANES
            rows16 = rows_v[row, pl.ds(sub, LANES)]
            cols16 = cols_v[row, pl.ds(sub, LANES)]
            vals16 = vals_v[row, pl.ds(sub, LANES)]
            m = (p >= lo) & (p < hi)
            r_loc = jnp.where(m, rows16 - base_row, 0)
            c_loc = jnp.where(m, cols16, 0)
            cb = lax.shift_right_logical(c_loc, 7)
            l = c_loc & 127
            plsc.store_scatter(acc_v, [cb, r_loc, l], vals16, mask=m)
            return carry

        lax.fori_loop(lo // LANES, (hi + LANES - 1) // LANES, edge_chunk, 0)

        wb = [
            pltpu.async_copy(
                acc_v.at[cb], a_hbm.at[cb, pl.ds(base_row, rows_per_worker)], sem
            )
            for cb in range(8)
        ]
        for h in wb:
            h.wait()

    return body(rows2, cols2, vals2, offs)


def _xw_tc(x3, w, group=12):
    bt, n, c = x3.shape
    f = w.shape[1]

    def body(x_ref, w_ref, o_ref):
        for i in range(group):
            o_ref[i] = jnp.dot(
                x_ref[i], w_ref[...], preferred_element_type=jnp.float32
            ).astype(jnp.bfloat16)

    return pl.pallas_call(
        body,
        grid=(bt // group,),
        in_specs=[
            pl.BlockSpec((group, n, c), lambda i: (i, 0, 0)),
            pl.BlockSpec((c, f), lambda i: (0, 0)),
        ],
        out_specs=pl.BlockSpec((group, n, f), lambda i: (i, 0, 0)),
        out_shape=jax.ShapeDtypeStruct((bt, n, f), jnp.bfloat16),
    )(x3, w)


def _spmm_tc(a_blk, xw, group=12):
    bt, n, f = xw.shape

    def body(xw_ref, a_ref, o_ref, ab_ref):
        @pl.when(pl.program_id(0) == 0)
        def _():
            for cb in range(8):
                ab_ref[:, cb * 128:(cb + 1) * 128] = a_ref[cb].astype(jnp.bfloat16)

        xw_wide = jnp.concatenate([xw_ref[i] for i in range(group)], axis=1)
        y = jnp.dot(ab_ref[...], xw_wide, preferred_element_type=jnp.float32)
        for i in range(group):
            o_ref[i] = y[:, i * f:(i + 1) * f]

    return pl.pallas_call(
        body,
        grid=(bt // group,),
        in_specs=[
            pl.BlockSpec((group, n, f), lambda i: (i, 0, 0)),
            pl.BlockSpec((8, n, 128), lambda i: (0, 0, 0)),
        ],
        out_specs=pl.BlockSpec((group, n, f), lambda i: (i, 0, 0)),
        out_shape=jax.ShapeDtypeStruct((bt, n, f), jnp.float32),
        scratch_shapes=[pltpu.VMEM((n, n), jnp.bfloat16)],
    )(xw, a_blk)


def kernel(x, W, adj_rows, adj_cols, adj_vals):
    x = x.astype(jnp.float32)
    b, t, n, c = x.shape
    num_workers = 32
    rows_per_worker = n // num_workers
    bounds = jnp.arange(0, n + rows_per_worker, rows_per_worker, dtype=jnp.int32)
    offs = jnp.zeros((8, 128), jnp.int32).at[0, : num_workers + 1].set(
        jnp.searchsorted(adj_rows, bounds).astype(jnp.int32)
    )
    nnz = adj_rows.shape[0]
    gtot = (nnz // 128) // 8 * 8 + 24
    padded = gtot * 128
    rows2 = jnp.pad(adj_rows, (0, padded - nnz)).reshape(-1, 128)
    cols2 = jnp.pad(adj_cols, (0, padded - nnz)).reshape(-1, 128)
    vals2 = jnp.pad(adj_vals, (0, padded - nnz)).reshape(-1, 128)
    xw = _xw_tc(x.reshape(b * t, n, c), W)
    a = _densify_sc(rows2, cols2, vals2, offs)
    out = _spmm_tc(a, xw)
    return out.reshape(b, t, n, W.shape[1])

# --- scband reference (transcript-rebuilt; emitter-appended) ---
"""Pipeline reference for scband-graph-conv-38070590111773 (READ-ONLY COPY).

The authoritative reference and input builder live on the scoring server;
editing this copy changes nothing except your own understanding.
"""

import jax, jax.numpy as jnp
import numpy as np

N = 1024
C = 64
FILTERS = 64
B = 4
T = 12
NNZ = 16384


def setup_inputs(seed: int = 0) -> dict:
    key = jax.random.key(seed)
    kx, kw = jax.random.split(key)
    # Sparse adjacency matching tf.sparse.SparseTensor built from np.where(adj != 0)
    # (row-major sorted unique (row, col) pairs, float32 values).
    rng = np.random.default_rng(0)
    rows = rng.integers(0, N, NNZ)
    cols = rng.integers(0, N, NNZ)
    lin = np.unique(rows.astype(np.int64) * N + cols.astype(np.int64))
    adj_rows = jnp.asarray((lin // N).astype(np.int32))
    adj_cols = jnp.asarray((lin % N).astype(np.int32))
    adj_vals = jnp.asarray(rng.random(lin.shape[0]).astype(np.float32))
    x = jax.random.normal(kx, (B, T, N, C), dtype=jnp.float32)
    limit = float(np.sqrt(6.0 / (C + FILTERS)))  # glorot_uniform
    W = jax.random.uniform(kw, (C, FILTERS), dtype=jnp.float32, minval=-limit, maxval=limit)
    return {"x": x, "W": W, "adj_rows": adj_rows, "adj_cols": adj_cols, "adj_vals": adj_vals}


def reference(x, W, adj_rows, adj_cols, adj_vals):
    # Faithful translation of GraphConv.call:
    #   x: [B, T, N, C] -> transpose [B, T, C, N] -> reshape [-1, N] -> transpose [N, B*T*C]
    #   sparse_dense_matmul(adj, x) -> transpose back -> reshape [B, T, C, N] -> [B, T, N, C]
    #   matmul with weight [C, filters]
    x = x.astype(jnp.float32)
    b, t, n, c = x.shape
    xt = jnp.transpose(x, (0, 1, 3, 2))          # [B, T, C, N]
    xt = xt.reshape(-1, n)                        # [B*T*C, N]
    xd = jnp.transpose(xt)                        # [N, B*T*C]
    # sparse @ dense: out[r] += v * xd[col]  (gather + scatter-add)
    gathered = jnp.take(xd, adj_cols, axis=0) * adj_vals[:, None]   # [nnz, B*T*C]
    agg = jnp.zeros_like(xd).at[adj_rows].add(gathered)             # [N, B*T*C]
    y = jnp.transpose(agg)                        # [B*T*C, N]
    y = y.reshape(b, t, c, n)                     # [B, T, C, N]
    y = jnp.transpose(y, (0, 1, 3, 2))            # [B, T, N, C]
    return jnp.matmul(y, W)                       # [B, T, N, FILTERS]

if __name__ == "__main__":
    import jax
    _d = setup_inputs()
    print(jax.jit(kernel)(*tuple(_d.values())))

</pallas_src>

<mosaic_0001>
#map = affine_map<(d0, d1) -> (0, 0)>
#map1 = affine_map<(d0, d1) -> (0, 0, 0)>
module attributes {stable_mosaic.version = 14 : i64} {
  func.func @body(%arg0: i32, %arg1: i32, %arg2: memref<144x128xi32, #tpu.memory_space<hbm>>, %arg3: memref<144x128xi32, #tpu.memory_space<hbm>>, %arg4: memref<144x128xf32, #tpu.memory_space<hbm>>, %arg5: memref<8x128xi32, #tpu.memory_space<hbm>>, %arg6: memref<8x1024x128xf32, #tpu.memory_space<hbm>>, %arg7: memref<24x128xi32, #tpu.memory_space<vmem>>, %arg8: memref<24x128xi32, #tpu.memory_space<vmem>>, %arg9: memref<24x128xf32, #tpu.memory_space<vmem>>, %arg10: memref<8x128xi32, #tpu.memory_space<vmem>>, %arg11: memref<8x32x128xf32, #tpu.memory_space<vmem>>, %arg12: memref<!tpu.dma_semaphore, #tpu.memory_space<semaphore_mem>>) attributes {dimension_semantics = [#tpu.dimension_semantics<core_parallel>, #tpu.dimension_semantics<subcore_parallel>], iteration_bounds = array<i64: 2, 16>, scalar_prefetch = 0 : i64, scratch_operands = 6 : i64, tpu.core_type = #tpu.core_type<sc_vector_subcore>, window_params = [{transform_indices = #map}, {transform_indices = #map}, {transform_indices = #map}, {transform_indices = #map}, {transform_indices = #map1}]} {
    %mul3A = arith.constant 16 : i32
    %mul3A_0 = arith.muli %arg0, %mul3A : i32
    %add3A = arith.addi %mul3A_0, %arg1 : i32
    %mul3A_1 = arith.constant 32 : i32
    %mul3A_2 = arith.muli %add3A, %mul3A_1 : i32
    "tpu.region"() ({
      %run_scoped3A = tpu.sem_alloc : memref<!tpu.dma_semaphore, #tpu.memory_space<semaphore_mem>>
      tpu.enqueue_dma source(%arg5 : memref<8x128xi32, #tpu.memory_space<hbm>>) target(%arg10 : memref<8x128xi32, #tpu.memory_space<vmem>>) target_semaphore(%run_scoped3A : memref<!tpu.dma_semaphore, #tpu.memory_space<semaphore_mem>>)
      tpu.wait_dma2 semaphore(%run_scoped3A : memref<!tpu.dma_semaphore, #tpu.memory_space<semaphore_mem>>) src(%arg5 : memref<8x128xi32, #tpu.memory_space<hbm>>) dst(%arg10 : memref<8x128xi32, #tpu.memory_space<vmem>>)
      tpu.yield
    }) : () -> ()
    %get3A = arith.constant 0 : i32
    %get3A_3 = arith.index_cast %get3A : i32 to index
    %get3A_4 = arith.index_cast %add3A : i32 to index
    %get3A_5 = tpu.vector_load %arg10[%get3A_3, %get3A_4] {strides = array<i32>} : memref<8x128xi32, #tpu.memory_space<vmem>>, vector<16xi32>,
    %slice3A = vector.extract_strided_slice %get3A_5 {offsets = [0], sizes = [1], strides = [1]} : vector<16xi32> to vector<1xi32>
    %squeeze3A = vector.extract %slice3A[0] : i32 from vector<1xi32>
    %add3A_6 = arith.constant 1 : i32
    %add3A_7 = arith.addi %add3A, %add3A_6 : i32
    %get3A_8 = arith.constant 0 : i32
    %get3A_9 = arith.index_cast %get3A_8 : i32 to index
    %get3A_10 = arith.index_cast %add3A_7 : i32 to index
    %get3A_11 = tpu.vector_load %arg10[%get3A_9, %get3A_10] {strides = array<i32>} : memref<8x128xi32, #tpu.memory_space<vmem>>, vector<16xi32>,
    %slice3A_12 = vector.extract_strided_slice %get3A_11 {offsets = [0], sizes = [1], strides = [1]} : vector<16xi32> to vector<1xi32>
    %squeeze3A_13 = vector.extract %slice3A_12[0] : i32 from vector<1xi32>
    %jit3A = arith.constant 128 : i32
    %div3A = arith.divsi %squeeze3A, %jit3A : i32
    %sign3A = arith.constant 0 : i32
    %sign3A_14 = arith.cmpi sgt, %squeeze3A, %sign3A : i32
    %sign3A_15 = arith.extui %sign3A_14 : i1 to i32
    %sign3A_16 = arith.constant 0 : i32
    %sign3A_17 = arith.cmpi slt, %squeeze3A, %sign3A_16 : i32
    %sign3A_18 = arith.extui %sign3A_17 : i1 to i32
    %sign3A_19 = arith.subi %sign3A_15, %sign3A_18 : i32
    %sign3A_20 = arith.constant 0 : i32
    %sign3A_21 = arith.cmpi sgt, %jit3A, %sign3A_20 : i32
    %sign3A_22 = arith.extui %sign3A_21 : i1 to i32
    %sign3A_23 = arith.constant 0 : i32
    %sign3A_24 = arith.cmpi slt, %jit3A, %sign3A_23 : i32
    %sign3A_25 = arith.extui %sign3A_24 : i1 to i32
    %sign3A_26 = arith.subi %sign3A_22, %sign3A_25 : i32
    %ne3A = arith.cmpi ne, %sign3A_19, %sign3A_26 : i32
    %rem3A = arith.remsi %squeeze3A, %jit3A : i32
    %ne3A_27 = arith.constant 0 : i32
    %ne3A_28 = arith.cmpi ne, %rem3A, %ne3A_27 : i32
    %and3A = arith.andi %ne3A, %ne3A_28 : i1
    %sub3A = arith.constant 1 : i32
    %sub3A_29 = arith.subi %div3A, %sub3A : i32
    %select_n3A = arith.select %and3A, %sub3A_29, %div3A : i32
    %and3A_30 = arith.constant -8 : i32
    %and3A_31 = arith.andi %select_n3A, %and3A_30 : i32
    %multiple_of3A = tpu.assume_multiple %and3A_31, 8 : i32
    %dma_start3A = arith.constant 0 : i32
    %dma_start3A_32 = tpu.memref_slice %arg2[%multiple_of3A, %dma_start3A] : memref<144x128xi32, #tpu.memory_space<hbm>> -> memref<24x128xi32, #tpu.memory_space<hbm>>
    %dma_start3A_33 = arith.constant 0 : i32
    %dma_start3A_34 = tpu.memref_slice %arg2[%multiple_of3A, %dma_start3A_33] : memref<144x128xi32, #tpu.memory_space<hbm>> -> memref<24x128xi32, #tpu.memory_space<hbm>>
    tpu.enqueue_dma source(%dma_start3A_34 : memref<24x128xi32, #tpu.memory_space<hbm>>) target(%arg7 : memref<24x128xi32, #tpu.memory_space<vmem>>) target_semaphore(%arg12 : memref<!tpu.dma_semaphore, #tpu.memory_space<semaphore_mem>>)
    %dma_start3A_35 = arith.constant 0 : i32
    %dma_start3A_36 = tpu.memref_slice %arg3[%multiple_of3A, %dma_start3A_35] : memref<144x128xi32, #tpu.memory_space<hbm>> -> memref<24x128xi32, #tpu.memory_space<hbm>>
    %dma_start3A_37 = arith.constant 0 : i32
    %dma_start3A_38 = tpu.memref_slice %arg3[%multiple_of3A, %dma_start3A_37] : memref<144x128xi32, #tpu.memory_space<hbm>> -> memref<24x128xi32, #tpu.memory_space<hbm>>
    tpu.enqueue_dma source(%dma_start3A_38 : memref<24x128xi32, #tpu.memory_space<hbm>>) target(%arg8 : memref<24x128xi32, #tpu.memory_space<vmem>>) target_semaphore(%arg12 : memref<!tpu.dma_semaphore, #tpu.memory_space<semaphore_mem>>)
    %dma_start3A_39 = arith.constant 0 : i32
    %dma_start3A_40 = tpu.memref_slice %arg4[%multiple_of3A, %dma_start3A_39] : memref<144x128xf32, #tpu.memory_space<hbm>> -> memref<24x128xf32, #tpu.memory_space<hbm>>
    %dma_start3A_41 = arith.constant 0 : i32
    %dma_start3A_42 = tpu.memref_slice %arg4[%multiple_of3A, %dma_start3A_41] : memref<144x128xf32, #tpu.memory_space<hbm>> -> memref<24x128xf32, #tpu.memory_space<hbm>>
    tpu.enqueue_dma source(%dma_start3A_42 : memref<24x128xf32, #tpu.memory_space<hbm>>) target(%arg9 : memref<24x128xf32, #tpu.memory_space<vmem>>) target_semaphore(%arg12 : memref<!tpu.dma_semaphore, #tpu.memory_space<semaphore_mem>>)
    %broadcast_in_dim3A = arith.constant 0.000000e+00 : f32
    %broadcast_in_dim3A_43 = vector.broadcast %broadcast_in_dim3A : f32 to vector<16xf32>
    %scan3A = arith.constant 0 : i32
    %scan3A_44 = arith.constant 0 : i32
    %scan3A_45 = arith.constant 32 : i32
    %scan3A_46 = arith.addi %scan3A_44, %scan3A_45 : i32
    %scan3A_47 = arith.constant 1 : i32
    scf.for %scan3A_382 = %scan3A_44 to %scan3A_46 step %scan3A_47  : i32 {
      %swap3A = arith.constant 0 : i32
      %swap3A_383 = arith.index_cast %swap3A : i32 to index
      %swap3A_384 = arith.index_cast %scan3A_382 : i32 to index
      %swap3A_385 = arith.constant 0 : index
      %swap3A_386 = tpu.vector_load %arg11[%swap3A_383, %swap3A_384, %swap3A_385] {strides = array<i32>} : memref<8x32x128xf32, #tpu.memory_space<vmem>>, vector<16xf32>,
      tpu.vector_store %arg11[%swap3A_383, %swap3A_384, %swap3A_385], %broadcast_in_dim3A_43 {strides = array<i32>} : memref<8x32x128xf32, #tpu.memory_space<vmem>>, vector<16xf32>,
      %swap3A_387 = arith.constant 0 : i32
      %swap3A_388 = arith.index_cast %swap3A_387 : i32 to index
      %swap3A_389 = arith.index_cast %scan3A_382 : i32 to index
      %swap3A_390 = arith.constant 16 : index
      %swap3A_391 = tpu.vector_load %arg11[%swap3A_388, %swap3A_389, %swap3A_390] {strides = array<i32>} : memref<8x32x128xf32, #tpu.memory_space<vmem>>, vector<16xf32>,
      tpu.vector_store %arg11[%swap3A_388, %swap3A_389, %swap3A_390], %broadcast_in_dim3A_43 {strides = array<i32>} : memref<8x32x128xf32, #tpu.memory_space<vmem>>, vector<16xf32>,
      %swap3A_392 = arith.constant 0 : i32
      %swap3A_393 = arith.index_cast %swap3A_392 : i32 to index
      %swap3A_394 = arith.index_cast %scan3A_382 : i32 to index
      %swap3A_395 = arith.constant 32 : index
      %swap3A_396 = tpu.vector_load %arg11[%swap3A_393, %swap3A_394, %swap3A_395] {strides = array<i32>} : memref<8x32x128xf32, #tpu.memory_space<vmem>>, vector<16xf32>,
      tpu.vector_store %arg11[%swap3A_393, %swap3A_394, %swap3A_395], %broadcast_in_dim3A_43 {strides = array<i32>} : memref<8x32x128xf32, #tpu.memory_space<vmem>>, vector<16xf32>,
      %swap3A_397 = arith.constant 0 : i32
      %swap3A_398 = arith.index_cast %swap3A_397 : i32 to index
      %swap3A_399 = arith.index_cast %scan3A_382 : i32 to index
      %swap3A_400 = arith.constant 48 : index
      %swap3A_401 = tpu.vector_load %arg11[%swap3A_398, %swap3A_399, %swap3A_400] {strides = array<i32>} : memref<8x32x128xf32, #tpu.memory_space<vmem>>, vector<16xf32>,
      tpu.vector_store %arg11[%swap3A_398, %swap3A_399, %swap3A_400], %broadcast_in_dim3A_43 {strides = array<i32>} : memref<8x32x128xf32, #tpu.memory_space<vmem>>, vector<16xf32>,
      %swap3A_402 = arith.constant 0 : i32
      %swap3A_403 = arith.index_cast %swap3A_402 : i32 to index
      %swap3A_404 = arith.index_cast %scan3A_382 : i32 to index
      %swap3A_405 = arith.constant 64 : index
      %swap3A_406 = tpu.vector_load %arg11[%swap3A_403, %swap3A_404, %swap3A_405] {strides = array<i32>} : memref<8x32x128xf32, #tpu.memory_space<vmem>>, vector<16xf32>,
      tpu.vector_store %arg11[%swap3A_403, %swap3A_404, %swap3A_405], %broadcast_in_dim3A_43 {strides = array<i32>} : memref<8x32x128xf32, #tpu.memory_space<vmem>>, vector<16xf32>,
      %swap3A_407 = arith.constant 0 : i32
      %swap3A_408 = arith.index_cast %swap3A_407 : i32 to index
      %swap3A_409 = arith.index_cast %scan3A_382 : i32 to index
      %swap3A_410 = arith.constant 80 : index
      %swap3A_411 = tpu.vector_load %arg11[%swap3A_408, %swap3A_409, %swap3A_410] {strides = array<i32>} : memref<8x32x128xf32, #tpu.memory_space<vmem>>, vector<16xf32>,
      tpu.vector_store %arg11[%swap3A_408, %swap3A_409, %swap3A_410], %broadcast_in_dim3A_43 {strides = array<i32>} : memref<8x32x128xf32, #tpu.memory_space<vmem>>, vector<16xf32>,
      %swap3A_412 = arith.constant 0 : i32
      %swap3A_413 = arith.index_cast %swap3A_412 : i32 to index
      %swap3A_414 = arith.index_cast %scan3A_382 : i32 to index
      %swap3A_415 = arith.constant 96 : index
      %swap3A_416 = tpu.vector_load %arg11[%swap3A_413, %swap3A_414, %swap3A_415] {strides = array<i32>} : memref<8x32x128xf32, #tpu.memory_space<vmem>>, vector<16xf32>,
      tpu.vector_store %arg11[%swap3A_413, %swap3A_414, %swap3A_415], %broadcast_in_dim3A_43 {strides = array<i32>} : memref<8x32x128xf32, #tpu.memory_space<vmem>>, vector<16xf32>,
      %swap3A_417 = arith.constant 0 : i32
      %swap3A_418 = arith.index_cast %swap3A_417 : i32 to index
      %swap3A_419 = arith.index_cast %scan3A_382 : i32 to index
      %swap3A_420 = arith.constant 112 : index
      %swap3A_421 = tpu.vector_load %arg11[%swap3A_418, %swap3A_419, %swap3A_420] {strides = array<i32>} : memref<8x32x128xf32, #tpu.memory_space<vmem>>, vector<16xf32>,
      tpu.vector_store %arg11[%swap3A_418, %swap3A_419, %swap3A_420], %broadcast_in_dim3A_43 {strides = array<i32>} : memref<8x32x128xf32, #tpu.memory_space<vmem>>, vector<16xf32>,
      %swap3A_422 = arith.constant 1 : i32
      %swap3A_423 = arith.index_cast %swap3A_422 : i32 to index
      %swap3A_424 = arith.index_cast %scan3A_382 : i32 to index
      %swap3A_425 = arith.constant 0 : index
      %swap3A_426 = tpu.vector_load %arg11[%swap3A_423, %swap3A_424, %swap3A_425] {strides = array<i32>} : memref<8x32x128xf32, #tpu.memory_space<vmem>>, vector<16xf32>,
      tpu.vector_store %arg11[%swap3A_423, %swap3A_424, %swap3A_425], %broadcast_in_dim3A_43 {strides = array<i32>} : memref<8x32x128xf32, #tpu.memory_space<vmem>>, vector<16xf32>,
      %swap3A_427 = arith.constant 1 : i32
      %swap3A_428 = arith.index_cast %swap3A_427 : i32 to index
      %swap3A_429 = arith.index_cast %scan3A_382 : i32 to index
      %swap3A_430 = arith.constant 16 : index
      %swap3A_431 = tpu.vector_load %arg11[%swap3A_428, %swap3A_429, %swap3A_430] {strides = array<i32>} : memref<8x32x128xf32, #tpu.memory_space<vmem>>, vector<16xf32>,
      tpu.vector_store %arg11[%swap3A_428, %swap3A_429, %swap3A_430], %broadcast_in_dim3A_43 {strides = array<i32>} : memref<8x32x128xf32, #tpu.memory_space<vmem>>, vector<16xf32>,
      %swap3A_432 = arith.constant 1 : i32
      %swap3A_433 = arith.index_cast %swap3A_432 : i32 to index
      %swap3A_434 = arith.index_cast %scan3A_382 : i32 to index
      %swap3A_435 = arith.constant 32 : index
      %swap3A_436 = tpu.vector_load %arg11[%swap3A_433, %swap3A_434, %swap3A_435] {strides = array<i32>} : memref<8x32x128xf32, #tpu.memory_space<vmem>>, vector<16xf32>,
      tpu.vector_store %arg11[%swap3A_433, %swap3A_434, %swap3A_435], %broadcast_in_dim3A_43 {strides = array<i32>} : memref<8x32x128xf32, #tpu.memory_space<vmem>>, vector<16xf32>,
      %swap3A_437 = arith.constant 1 : i32
      %swap3A_438 = arith.index_cast %swap3A_437 : i32 to index
      %swap3A_439 = arith.index_cast %scan3A_382 : i32 to index
      %swap3A_440 = arith.constant 48 : index
      %swap3A_441 = tpu.vector_load %arg11[%swap3A_438, %swap3A_439, %swap3A_440] {strides = array<i32>} : memref<8x32x128xf32, #tpu.memory_space<vmem>>, vector<16xf32>,
      tpu.vector_store %arg11[%swap3A_438, %swap3A_439, %swap3A_440], %broadcast_in_dim3A_43 {strides = array<i32>} : memref<8x32x128xf32, #tpu.memory_space<vmem>>, vector<16xf32>,
      %swap3A_442 = arith.constant 1 : i32
      %swap3A_443 = arith.index_cast %swap3A_442 : i32 to index
      %swap3A_444 = arith.index_cast %scan3A_382 : i32 to index
      %swap3A_445 = arith.constant 64 : index
      %swap3A_446 = tpu.vector_load %arg11[%swap3A_443, %swap3A_444, %swap3A_445] {strides = array<i32>} : memref<8x32x128xf32, #tpu.memory_space<vmem>>, vector<16xf32>,
      tpu.vector_store %arg11[%swap3A_443, %swap3A_444, %swap3A_445], %broadcast_in_dim3A_43 {strides = array<i32>} : memref<8x32x128xf32, #tpu.memory_space<vmem>>, vector<16xf32>,
      %swap3A_447 = arith.constant 1 : i32
      %swap3A_448 = arith.index_cast %swap3A_447 : i32 to index
      %swap3A_449 = arith.index_cast %scan3A_382 : i32 to index
      %swap3A_450 = arith.constant 80 : index
      %swap3A_451 = tpu.vector_load %arg11[%swap3A_448, %swap3A_449, %swap3A_450] {strides = array<i32>} : memref<8x32x128xf32, #tpu.memory_space<vmem>>, vector<16xf32>,
      tpu.vector_store %arg11[%swap3A_448, %swap3A_449, %swap3A_450], %broadcast_in_dim3A_43 {strides = array<i32>} : memref<8x32x128xf32, #tpu.memory_space<vmem>>, vector<16xf32>,
      %swap3A_452 = arith.constant 1 : i32
      %swap3A_453 = arith.index_cast %swap3A_452 : i32 to index
      %swap3A_454 = arith.index_cast %scan3A_382 : i32 to index
      %swap3A_455 = arith.constant 96 : index
      %swap3A_456 = tpu.vector_load %arg11[%swap3A_453, %swap3A_454, %swap3A_455] {strides = array<i32>} : memref<8x32x128xf32, #tpu.memory_space<vmem>>, vector<16xf32>,
      tpu.vector_store %arg11[%swap3A_453, %swap3A_454, %swap3A_455], %broadcast_in_dim3A_43 {strides = array<i32>} : memref<8x32x128xf32, #tpu.memory_space<vmem>>, vector<16xf32>,
      %swap3A_457 = arith.constant 1 : i32
      %swap3A_458 = arith.index_cast %swap3A_457 : i32 to index
      %swap3A_459 = arith.index_cast %scan3A_382 : i32 to index
      %swap3A_460 = arith.constant 112 : index
      %swap3A_461 = tpu.vector_load %arg11[%swap3A_458, %swap3A_459, %swap3A_460] {strides = array<i32>} : memref<8x32x128xf32, #tpu.memory_space<vmem>>, vector<16xf32>,
      tpu.vector_store %arg11[%swap3A_458, %swap3A_459, %swap3A_460], %broadcast_in_dim3A_43 {strides = array<i32>} : memref<8x32x128xf32, #tpu.memory_space<vmem>>, vector<16xf32>,
      %swap3A_462 = arith.constant 2 : i32
      %swap3A_463 = arith.index_cast %swap3A_462 : i32 to index
      %swap3A_464 = arith.index_cast %scan3A_382 : i32 to index
      %swap3A_465 = arith.constant 0 : index
      %swap3A_466 = tpu.vector_load %arg11[%swap3A_463, %swap3A_464, %swap3A_465] {strides = array<i32>} : memref<8x32x128xf32, #tpu.memory_space<vmem>>, vector<16xf32>,
      tpu.vector_store %arg11[%swap3A_463, %swap3A_464, %swap3A_465], %broadcast_in_dim3A_43 {strides = array<i32>} : memref<8x32x128xf32, #tpu.memory_space<vmem>>, vector<16xf32>,
      %swap3A_467 = arith.constant 2 : i32
      %swap3A_468 = arith.index_cast %swap3A_467 : i32 to index
      %swap3A_469 = arith.index_cast %scan3A_382 : i32 to index
      %swap3A_470 = arith.constant 16 : index
      %swap3A_471 = tpu.vector_load %arg11[%swap3A_468, %swap3A_469, %swap3A_470] {strides = array<i32>} : memref<8x32x128xf32, #tpu.memory_space<vmem>>, vector<16xf32>,
      tpu.vector_store %arg11[%swap3A_468, %swap3A_469, %swap3A_470], %broadcast_in_dim3A_43 {strides = array<i32>} : memref<8x32x128xf32, #tpu.memory_space<vmem>>, vector<16xf32>,
      %swap3A_472 = arith.constant 2 : i32
      %swap3A_473 = arith.index_cast %swap3A_472 : i32 to index
      %swap3A_474 = arith.index_cast %scan3A_382 : i32 to index
      %swap3A_475 = arith.constant 32 : index
      %swap3A_476 = tpu.vector_load %arg11[%swap3A_473, %swap3A_474, %swap3A_475] {strides = array<i32>} : memref<8x32x128xf32, #tpu.memory_space<vmem>>, vector<16xf32>,
      tpu.vector_store %arg11[%swap3A_473, %swap3A_474, %swap3A_475], %broadcast_in_dim3A_43 {strides = array<i32>} : memref<8x32x128xf32, #tpu.memory_space<vmem>>, vector<16xf32>,
      %swap3A_477 = arith.constant 2 : i32
      %swap3A_478 = arith.index_cast %swap3A_477 : i32 to index
      %swap3A_479 = arith.index_cast %scan3A_382 : i32 to index
      %swap3A_480 = arith.constant 48 : index
      %swap3A_481 = tpu.vector_load %arg11[%swap3A_478, %swap3A_479, %swap3A_480] {strides = array<i32>} : memref<8x32x128xf32, #tpu.memory_space<vmem>>, vector<16xf32>,
      tpu.vector_store %arg11[%swap3A_478, %swap3A_479, %swap3A_480], %broadcast_in_dim3A_43 {strides = array<i32>} : memref<8x32x128xf32, #tpu.memory_space<vmem>>, vector<16xf32>,
      %swap3A_482 = arith.constant 2 : i32
      %swap3A_483 = arith.index_cast %swap3A_482 : i32 to index
      %swap3A_484 = arith.index_cast %scan3A_382 : i32 to index
      %swap3A_485 = arith.constant 64 : index
      %swap3A_486 = tpu.vector_load %arg11[%swap3A_483, %swap3A_484, %swap3A_485] {strides = array<i32>} : memref<8x32x128xf32, #tpu.memory_space<vmem>>, vector<16xf32>,
      tpu.vector_store %arg11[%swap3A_483, %swap3A_484, %swap3A_485], %broadcast_in_dim3A_43 {strides = array<i32>} : memref<8x32x128xf32, #tpu.memory_space<vmem>>, vector<16xf32>,
      %swap3A_487 = arith.constant 2 : i32
      %swap3A_488 = arith.index_cast %swap3A_487 : i32 to index
      %swap3A_489 = arith.index_cast %scan3A_382 : i32 to index
      %swap3A_490 = arith.constant 80 : index
      %swap3A_491 = tpu.vector_load %arg11[%swap3A_488, %swap3A_489, %swap3A_490] {strides = array<i32>} : memref<8x32x128xf32, #tpu.memory_space<vmem>>, vector<16xf32>,
      tpu.vector_store %arg11[%swap3A_488, %swap3A_489, %swap3A_490], %broadcast_in_dim3A_43 {strides = array<i32>} : memref<8x32x128xf32, #tpu.memory_space<vmem>>, vector<16xf32>,
      %swap3A_492 = arith.constant 2 : i32
      %swap3A_493 = arith.index_cast %swap3A_492 : i32 to index
      %swap3A_494 = arith.index_cast %scan3A_382 : i32 to index
      %swap3A_495 = arith.constant 96 : index
      %swap3A_496 = tpu.vector_load %arg11[%swap3A_493, %swap3A_494, %swap3A_495] {strides = array<i32>} : memref<8x32x128xf32, #tpu.memory_space<vmem>>, vector<16xf32>,
      tpu.vector_store %arg11[%swap3A_493, %swap3A_494, %swap3A_495], %broadcast_in_dim3A_43 {strides = array<i32>} : memref<8x32x128xf32, #tpu.memory_space<vmem>>, vector<16xf32>,
      %swap3A_497 = arith.constant 2 : i32
      %swap3A_498 = arith.index_cast %swap3A_497 : i32 to index
      %swap3A_499 = arith.index_cast %scan3A_382 : i32 to index
      %swap3A_500 = arith.constant 112 : index
      %swap3A_501 = tpu.vector_load %arg11[%swap3A_498, %swap3A_499, %swap3A_500] {strides = array<i32>} : memref<8x32x128xf32, #tpu.memory_space<vmem>>, vector<16xf32>,
      tpu.vector_store %arg11[%swap3A_498, %swap3A_499, %swap3A_500], %broadcast_in_dim3A_43 {strides = array<i32>} : memref<8x32x128xf32, #tpu.memory_space<vmem>>, vector<16xf32>,
      %swap3A_502 = arith.constant 3 : i32
      %swap3A_503 = arith.index_cast %swap3A_502 : i32 to index
      %swap3A_504 = arith.index_cast %scan3A_382 : i32 to index
      %swap3A_505 = arith.constant 0 : index
      %swap3A_506 = tpu.vector_load %arg11[%swap3A_503, %swap3A_504, %swap3A_505] {strides = array<i32>} : memref<8x32x128xf32, #tpu.memory_space<vmem>>, vector<16xf32>,
      tpu.vector_store %arg11[%swap3A_503, %swap3A_504, %swap3A_505], %broadcast_in_dim3A_43 {strides = array<i32>} : memref<8x32x128xf32, #tpu.memory_space<vmem>>, vector<16xf32>,
      %swap3A_507 = arith.constant 3 : i32
      %swap3A_508 = arith.index_cast %swap3A_507 : i32 to index
      %swap3A_509 = arith.index_cast %scan3A_382 : i32 to index
      %swap3A_510 = arith.constant 16 : index
      %swap3A_511 = tpu.vector_load %arg11[%swap3A_508, %swap3A_509, %swap3A_510] {strides = array<i32>} : memref<8x32x128xf32, #tpu.memory_space<vmem>>, vector<16xf32>,
      tpu.vector_store %arg11[%swap3A_508, %swap3A_509, %swap3A_510], %broadcast_in_dim3A_43 {strides = array<i32>} : memref<8x32x128xf32, #tpu.memory_space<vmem>>, vector<16xf32>,
      %swap3A_512 = arith.constant 3 : i32
      %swap3A_513 = arith.index_cast %swap3A_512 : i32 to index
      %swap3A_514 = arith.index_cast %scan3A_382 : i32 to index
      %swap3A_515 = arith.constant 32 : index
      %swap3A_516 = tpu.vector_load %arg11[%swap3A_513, %swap3A_514, %swap3A_515] {strides = array<i32>} : memref<8x32x128xf32, #tpu.memory_space<vmem>>, vector<16xf32>,
      tpu.vector_store %arg11[%swap3A_513, %swap3A_514, %swap3A_515], %broadcast_in_dim3A_43 {strides = array<i32>} : memref<8x32x128xf32, #tpu.memory_space<vmem>>, vector<16xf32>,
      %swap3A_517 = arith.constant 3 : i32
      %swap3A_518 = arith.index_cast %swap3A_517 : i32 to index
      %swap3A_519 = arith.index_cast %scan3A_382 : i32 to index
      %swap3A_520 = arith.constant 48 : index
      %swap3A_521 = tpu.vector_load %arg11[%swap3A_518, %swap3A_519, %swap3A_520] {strides = array<i32>} : memref<8x32x128xf32, #tpu.memory_space<vmem>>, vector<16xf32>,
      tpu.vector_store %arg11[%swap3A_518, %swap3A_519, %swap3A_520], %broadcast_in_dim3A_43 {strides = array<i32>} : memref<8x32x128xf32, #tpu.memory_space<vmem>>, vector<16xf32>,
      %swap3A_522 = arith.constant 3 : i32
      %swap3A_523 = arith.index_cast %swap3A_522 : i32 to index
      %swap3A_524 = arith.index_cast %scan3A_382 : i32 to index
      %swap3A_525 = arith.constant 64 : index
      %swap3A_526 = tpu.vector_load %arg11[%swap3A_523, %swap3A_524, %swap3A_525] {strides = array<i32>} : memref<8x32x128xf32, #tpu.memory_space<vmem>>, vector<16xf32>,
      tpu.vector_store %arg11[%swap3A_523, %swap3A_524, %swap3A_525], %broadcast_in_dim3A_43 {strides = array<i32>} : memref<8x32x128xf32, #tpu.memory_space<vmem>>, vector<16xf32>,
      %swap3A_527 = arith.constant 3 : i32
      %swap3A_528 = arith.index_cast %swap3A_527 : i32 to index
      %swap3A_529 = arith.index_cast %scan3A_382 : i32 to index
      %swap3A_530 = arith.constant 80 : index
      %swap3A_531 = tpu.vector_load %arg11[%swap3A_528, %swap3A_529, %swap3A_530] {strides = array<i32>} : memref<8x32x128xf32, #tpu.memory_space<vmem>>, vector<16xf32>,
      tpu.vector_store %arg11[%swap3A_528, %swap3A_529, %swap3A_530], %broadcast_in_dim3A_43 {strides = array<i32>} : memref<8x32x128xf32, #tpu.memory_space<vmem>>, vector<16xf32>,
      %swap3A_532 = arith.constant 3 : i32
      %swap3A_533 = arith.index_cast %swap3A_532 : i32 to index
      %swap3A_534 = arith.index_cast %scan3A_382 : i32 to index
      %swap3A_535 = arith.constant 96 : index
      %swap3A_536 = tpu.vector_load %arg11[%swap3A_533, %swap3A_534, %swap3A_535] {strides = array<i32>} : memref<8x32x128xf32, #tpu.memory_space<vmem>>, vector<16xf32>,
      tpu.vector_store %arg11[%swap3A_533, %swap3A_534, %swap3A_535], %broadcast_in_dim3A_43 {strides = array<i32>} : memref<8x32x128xf32, #tpu.memory_space<vmem>>, vector<16xf32>,
      %swap3A_537 = arith.constant 3 : i32
      %swap3A_538 = arith.index_cast %swap3A_537 : i32 to index
      %swap3A_539 = arith.index_cast %scan3A_382 : i32 to index
      %swap3A_540 = arith.constant 112 : index
      %swap3A_541 = tpu.vector_load %arg11[%swap3A_538, %swap3A_539, %swap3A_540] {strides = array<i32>} : memref<8x32x128xf32, #tpu.memory_space<vmem>>, vector<16xf32>,
      tpu.vector_store %arg11[%swap3A_538, %swap3A_539, %swap3A_540], %broadcast_in_dim3A_43 {strides = array<i32>} : memref<8x32x128xf32, #tpu.memory_space<vmem>>, vector<16xf32>,
      %swap3A_542 = arith.constant 4 : i32
      %swap3A_543 = arith.index_cast %swap3A_542 : i32 to index
      %swap3A_544 = arith.index_cast %scan3A_382 : i32 to index
      %swap3A_545 = arith.constant 0 : index
      %swap3A_546 = tpu.vector_load %arg11[%swap3A_543, %swap3A_544, %swap3A_545] {strides = array<i32>} : memref<8x32x128xf32, #tpu.memory_space<vmem>>, vector<16xf32>,
      tpu.vector_store %arg11[%swap3A_543, %swap3A_544, %swap3A_545], %broadcast_in_dim3A_43 {strides = array<i32>} : memref<8x32x128xf32, #tpu.memory_space<vmem>>, vector<16xf32>,
      %swap3A_547 = arith.constant 4 : i32
      %swap3A_548 = arith.index_cast %swap3A_547 : i32 to index
      %swap3A_549 = arith.index_cast %scan3A_382 : i32 to index
      %swap3A_550 = arith.constant 16 : index
      %swap3A_551 = tpu.vector_load %arg11[%swap3A_548, %swap3A_549, %swap3A_550] {strides = array<i32>} : memref<8x32x128xf32, #tpu.memory_space<vmem>>, vector<16xf32>,
      tpu.vector_store %arg11[%swap3A_548, %swap3A_549, %swap3A_550], %broadcast_in_dim3A_43 {strides = array<i32>} : memref<8x32x128xf32, #tpu.memory_space<vmem>>, vector<16xf32>,
      %swap3A_552 = arith.constant 4 : i32
      %swap3A_553 = arith.index_cast %swap3A_552 : i32 to index
      %swap3A_554 = arith.index_cast %scan3A_382 : i32 to index
      %swap3A_555 = arith.constant 32 : index
      %swap3A_556 = tpu.vector_load %arg11[%swap3A_553, %swap3A_554, %swap3A_555] {strides = array<i32>} : memref<8x32x128xf32, #tpu.memory_space<vmem>>, vector<16xf32>,
      tpu.vector_store %arg11[%swap3A_553, %swap3A_554, %swap3A_555], %broadcast_in_dim3A_43 {strides = array<i32>} : memref<8x32x128xf32, #tpu.memory_space<vmem>>, vector<16xf32>,
      %swap3A_557 = arith.constant 4 : i32
      %swap3A_558 = arith.index_cast %swap3A_557 : i32 to index
      %swap3A_559 = arith.index_cast %scan3A_382 : i32 to index
      %swap3A_560 = arith.constant 48 : index
      %swap3A_561 = tpu.vector_load %arg11[%swap3A_558, %swap3A_559, %swap3A_560] {strides = array<i32>} : memref<8x32x128xf32, #tpu.memory_space<vmem>>, vector<16xf32>,
      tpu.vector_store %arg11[%swap3A_558, %swap3A_559, %swap3A_560], %broadcast_in_dim3A_43 {strides = array<i32>} : memref<8x32x128xf32, #tpu.memory_space<vmem>>, vector<16xf32>,
      %swap3A_562 = arith.constant 4 : i32
      %swap3A_563 = arith.index_cast %swap3A_562 : i32 to index
      %swap3A_564 = arith.index_cast %scan3A_382 : i32 to index
      %swap3A_565 = arith.constant 64 : index
      %swap3A_566 = tpu.vector_load %arg11[%swap3A_563, %swap3A_564, %swap3A_565] {strides = array<i32>} : memref<8x32x128xf32, #tpu.memory_space<vmem>>, vector<16xf32>,
      tpu.vector_store %arg11[%swap3A_563, %swap3A_564, %swap3A_565], %broadcast_in_dim3A_43 {strides = array<i32>} : memref<8x32x128xf32, #tpu.memory_space<vmem>>, vector<16xf32>,
      %swap3A_567 = arith.constant 4 : i32
      %swap3A_568 = arith.index_cast %swap3A_567 : i32 to index
      %swap3A_569 = arith.index_cast %scan3A_382 : i32 to index
      %swap3A_570 = arith.constant 80 : index
      %swap3A_571 = tpu.vector_load %arg11[%swap3A_568, %swap3A_569, %swap3A_570] {strides = array<i32>} : memref<8x32x128xf32, #tpu.memory_space<vmem>>, vector<16xf32>,
      tpu.vector_store %arg11[%swap3A_568, %swap3A_569, %swap3A_570], %broadcast_in_dim3A_43 {strides = array<i32>} : memref<8x32x128xf32, #tpu.memory_space<vmem>>, vector<16xf32>,
      %swap3A_572 = arith.constant 4 : i32
      %swap3A_573 = arith.index_cast %swap3A_572 : i32 to index
      %swap3A_574 = arith.index_cast %scan3A_382 : i32 to index
      %swap3A_575 = arith.constant 96 : index
      %swap3A_576 = tpu.vector_load %arg11[%swap3A_573, %swap3A_574, %swap3A_575] {strides = array<i32>} : memref<8x32x128xf32, #tpu.memory_space<vmem>>, vector<16xf32>,
      tpu.vector_store %arg11[%swap3A_573, %swap3A_574, %swap3A_575], %broadcast_in_dim3A_43 {strides = array<i32>} : memref<8x32x128xf32, #tpu.memory_space<vmem>>, vector<16xf32>,
      %swap3A_577 = arith.constant 4 : i32
      %swap3A_578 = arith.index_cast %swap3A_577 : i32 to index
      %swap3A_579 = arith.index_cast %scan3A_382 : i32 to index
      %swap3A_580 = arith.constant 112 : index
      %swap3A_581 = tpu.vector_load %arg11[%swap3A_578, %swap3A_579, %swap3A_580] {strides = array<i32>} : memref<8x32x128xf32, #tpu.memory_space<vmem>>, vector<16xf32>,
      tpu.vector_store %arg11[%swap3A_578, %swap3A_579, %swap3A_580], %broadcast_in_dim3A_43 {strides = array<i32>} : memref<8x32x128xf32, #tpu.memory_space<vmem>>, vector<16xf32>,
      %swap3A_582 = arith.constant 5 : i32
      %swap3A_583 = arith.index_cast %swap3A_582 : i32 to index
      %swap3A_584 = arith.index_cast %scan3A_382 : i32 to index
      %swap3A_585 = arith.constant 0 : index
      %swap3A_586 = tpu.vector_load %arg11[%swap3A_583, %swap3A_584, %swap3A_585] {strides = array<i32>} : memref<8x32x128xf32, #tpu.memory_space<vmem>>, vector<16xf32>,
      tpu.vector_store %arg11[%swap3A_583, %swap3A_584, %swap3A_585], %broadcast_in_dim3A_43 {strides = array<i32>} : memref<8x32x128xf32, #tpu.memory_space<vmem>>, vector<16xf32>,
      %swap3A_587 = arith.constant 5 : i32
      %swap3A_588 = arith.index_cast %swap3A_587 : i32 to index
      %swap3A_589 = arith.index_cast %scan3A_382 : i32 to index
      %swap3A_590 = arith.constant 16 : index
      %swap3A_591 = tpu.vector_load %arg11[%swap3A_588, %swap3A_589, %swap3A_590] {strides = array<i32>} : memref<8x32x128xf32, #tpu.memory_space<vmem>>, vector<16xf32>,
      tpu.vector_store %arg11[%swap3A_588, %swap3A_589, %swap3A_590], %broadcast_in_dim3A_43 {strides = array<i32>} : memref<8x32x128xf32, #tpu.memory_space<vmem>>, vector<16xf32>,
      %swap3A_592 = arith.constant 5 : i32
      %swap3A_593 = arith.index_cast %swap3A_592 : i32 to index
      %swap3A_594 = arith.index_cast %scan3A_382 : i32 to index
      %swap3A_595 = arith.constant 32 : index
      %swap3A_596 = tpu.vector_load %arg11[%swap3A_593, %swap3A_594, %swap3A_595] {strides = array<i32>} : memref<8x32x128xf32, #tpu.memory_space<vmem>>, vector<16xf32>,
      tpu.vector_store %arg11[%swap3A_593, %swap3A_594, %swap3A_595], %broadcast_in_dim3A_43 {strides = array<i32>} : memref<8x32x128xf32, #tpu.memory_space<vmem>>, vector<16xf32>,
      %swap3A_597 = arith.constant 5 : i32
      %swap3A_598 = arith.index_cast %swap3A_597 : i32 to index
      %swap3A_599 = arith.index_cast %scan3A_382 : i32 to index
      %swap3A_600 = arith.constant 48 : index
      %swap3A_601 = tpu.vector_load %arg11[%swap3A_598, %swap3A_599, %swap3A_600] {strides = array<i32>} : memref<8x32x128xf32, #tpu.memory_space<vmem>>, vector<16xf32>,
      tpu.vector_store %arg11[%swap3A_598, %swap3A_599, %swap3A_600], %broadcast_in_dim3A_43 {strides = array<i32>} : memref<8x32x128xf32, #tpu.memory_space<vmem>>, vector<16xf32>,
      %swap3A_602 = arith.constant 5 : i32
      %swap3A_603 = arith.index_cast %swap3A_602 : i32 to index
      %swap3A_604 = arith.index_cast %scan3A_382 : i32 to index
      %swap3A_605 = arith.constant 64 : index
      %swap3A_606 = tpu.vector_load %arg11[%swap3A_603, %swap3A_604, %swap3A_605] {strides = array<i32>} : memref<8x32x128xf32, #tpu.memory_space<vmem>>, vector<16xf32>,
      tpu.vector_store %arg11[%swap3A_603, %swap3A_604, %swap3A_605], %broadcast_in_dim3A_43 {strides = array<i32>} : memref<8x32x128xf32, #tpu.memory_space<vmem>>, vector<16xf32>,
      %swap3A_607 = arith.constant 5 : i32
      %swap3A_608 = arith.index_cast %swap3A_607 : i32 to index
      %swap3A_609 = arith.index_cast %scan3A_382 : i32 to index
      %swap3A_610 = arith.constant 80 : index
      %swap3A_611 = tpu.vector_load %arg11[%swap3A_608, %swap3A_609, %swap3A_610] {strides = array<i32>} : memref<8x32x128xf32, #tpu.memory_space<vmem>>, vector<16xf32>,
      tpu.vector_store %arg11[%swap3A_608, %swap3A_609, %swap3A_610], %broadcast_in_dim3A_43 {strides = array<i32>} : memref<8x32x128xf32, #tpu.memory_space<vmem>>, vector<16xf32>,
      %swap3A_612 = arith.constant 5 : i32
      %swap3A_613 = arith.index_cast %swap3A_612 : i32 to index
      %swap3A_614 = arith.index_cast %scan3A_382 : i32 to index
      %swap3A_615 = arith.constant 96 : index
      %swap3A_616 = tpu.vector_load %arg11[%swap3A_613, %swap3A_614, %swap3A_615] {strides = array<i32>} : memref<8x32x128xf32, #tpu.memory_space<vmem>>, vector<16xf32>,
      tpu.vector_store %arg11[%swap3A_613, %swap3A_614, %swap3A_615], %broadcast_in_dim3A_43 {strides = array<i32>} : memref<8x32x128xf32, #tpu.memory_space<vmem>>, vector<16xf32>,
      %swap3A_617 = arith.constant 5 : i32
      %swap3A_618 = arith.index_cast %swap3A_617 : i32 to index
      %swap3A_619 = arith.index_cast %scan3A_382 : i32 to index
      %swap3A_620 = arith.constant 112 : index
      %swap3A_621 = tpu.vector_load %arg11[%swap3A_618, %swap3A_619, %swap3A_620] {strides = array<i32>} : memref<8x32x128xf32, #tpu.memory_space<vmem>>, vector<16xf32>,
      tpu.vector_store %arg11[%swap3A_618, %swap3A_619, %swap3A_620], %broadcast_in_dim3A_43 {strides = array<i32>} : memref<8x32x128xf32, #tpu.memory_space<vmem>>, vector<16xf32>,
      %swap3A_622 = arith.constant 6 : i32
      %swap3A_623 = arith.index_cast %swap3A_622 : i32 to index
      %swap3A_624 = arith.index_cast %scan3A_382 : i32 to index
      %swap3A_625 = arith.constant 0 : index
      %swap3A_626 = tpu.vector_load %arg11[%swap3A_623, %swap3A_624, %swap3A_625] {strides = array<i32>} : memref<8x32x128xf32, #tpu.memory_space<vmem>>, vector<16xf32>,
      tpu.vector_store %arg11[%swap3A_623, %swap3A_624, %swap3A_625], %broadcast_in_dim3A_43 {strides = array<i32>} : memref<8x32x128xf32, #tpu.memory_space<vmem>>, vector<16xf32>,
      %swap3A_627 = arith.constant 6 : i32
      %swap3A_628 = arith.index_cast %swap3A_627 : i32 to index
      %swap3A_629 = arith.index_cast %scan3A_382 : i32 to index
      %swap3A_630 = arith.constant 16 : index
      %swap3A_631 = tpu.vector_load %arg11[%swap3A_628, %swap3A_629, %swap3A_630] {strides = array<i32>} : memref<8x32x128xf32, #tpu.memory_space<vmem>>, vector<16xf32>,
      tpu.vector_store %arg11[%swap3A_628, %swap3A_629, %swap3A_630], %broadcast_in_dim3A_43 {strides = array<i32>} : memref<8x32x128xf32, #tpu.memory_space<vmem>>, vector<16xf32>,
      %swap3A_632 = arith.constant 6 : i32
      %swap3A_633 = arith.index_cast %swap3A_632 : i32 to index
      %swap3A_634 = arith.index_cast %scan3A_382 : i32 to index
      %swap3A_635 = arith.constant 32 : index
      %swap3A_636 = tpu.vector_load %arg11[%swap3A_633, %swap3A_634, %swap3A_635] {strides = array<i32>} : memref<8x32x128xf32, #tpu.memory_space<vmem>>, vector<16xf32>,
      tpu.vector_store %arg11[%swap3A_633, %swap3A_634, %swap3A_635], %broadcast_in_dim3A_43 {strides = array<i32>} : memref<8x32x128xf32, #tpu.memory_space<vmem>>, vector<16xf32>,
      %swap3A_637 = arith.constant 6 : i32
      %swap3A_638 = arith.index_cast %swap3A_637 : i32 to index
      %swap3A_639 = arith.index_cast %scan3A_382 : i32 to index
      %swap3A_640 = arith.constant 48 : index
      %swap3A_641 = tpu.vector_load %arg11[%swap3A_638, %swap3A_639, %swap3A_640] {strides = array<i32>} : memref<8x32x128xf32, #tpu.memory_space<vmem>>, vector<16xf32>,
      tpu.vector_store %arg11[%swap3A_638, %swap3A_639, %swap3A_640], %broadcast_in_dim3A_43 {strides = array<i32>} : memref<8x32x128xf32, #tpu.memory_space<vmem>>, vector<16xf32>,
      %swap3A_642 = arith.constant 6 : i32
      %swap3A_643 = arith.index_cast %swap3A_642 : i32 to index
      %swap3A_644 = arith.index_cast %scan3A_382 : i32 to index
      %swap3A_645 = arith.constant 64 : index
      %swap3A_646 = tpu.vector_load %arg11[%swap3A_643, %swap3A_644, %swap3A_645] {strides = array<i32>} : memref<8x32x128xf32, #tpu.memory_space<vmem>>, vector<16xf32>,
      tpu.vector_store %arg11[%swap3A_643, %swap3A_644, %swap3A_645], %broadcast_in_dim3A_43 {strides = array<i32>} : memref<8x32x128xf32, #tpu.memory_space<vmem>>, vector<16xf32>,
      %swap3A_647 = arith.constant 6 : i32
      %swap3A_648 = arith.index_cast %swap3A_647 : i32 to index
      %swap3A_649 = arith.index_cast %scan3A_382 : i32 to index
      %swap3A_650 = arith.constant 80 : index
      %swap3A_651 = tpu.vector_load %arg11[%swap3A_648, %swap3A_649, %swap3A_650] {strides = array<i32>} : memref<8x32x128xf32, #tpu.memory_space<vmem>>, vector<16xf32>,
      tpu.vector_store %arg11[%swap3A_648, %swap3A_649, %swap3A_650], %broadcast_in_dim3A_43 {strides = array<i32>} : memref<8x32x128xf32, #tpu.memory_space<vmem>>, vector<16xf32>,
      %swap3A_652 = arith.constant 6 : i32
      %swap3A_653 = arith.index_cast %swap3A_652 : i32 to index
      %swap3A_654 = arith.index_cast %scan3A_382 : i32 to index
      %swap3A_655 = arith.constant 96 : index
      %swap3A_656 = tpu.vector_load %arg11[%swap3A_653, %swap3A_654, %swap3A_655] {strides = array<i32>} : memref<8x32x128xf32, #tpu.memory_space<vmem>>, vector<16xf32>,
      tpu.vector_store %arg11[%swap3A_653, %swap3A_654, %swap3A_655], %broadcast_in_dim3A_43 {strides = array<i32>} : memref<8x32x128xf32, #tpu.memory_space<vmem>>, vector<16xf32>,
      %swap3A_657 = arith.constant 6 : i32
      %swap3A_658 = arith.index_cast %swap3A_657 : i32 to index
      %swap3A_659 = arith.index_cast %scan3A_382 : i32 to index
      %swap3A_660 = arith.constant 112 : index
      %swap3A_661 = tpu.vector_load %arg11[%swap3A_658, %swap3A_659, %swap3A_660] {strides = array<i32>} : memref<8x32x128xf32, #tpu.memory_space<vmem>>, vector<16xf32>,
      tpu.vector_store %arg11[%swap3A_658, %swap3A_659, %swap3A_660], %broadcast_in_dim3A_43 {strides = array<i32>} : memref<8x32x128xf32, #tpu.memory_space<vmem>>, vector<16xf32>,
      %swap3A_662 = arith.constant 7 : i32
      %swap3A_663 = arith.index_cast %swap3A_662 : i32 to index
      %swap3A_664 = arith.index_cast %scan3A_382 : i32 to index
      %swap3A_665 = arith.constant 0 : index
      %swap3A_666 = tpu.vector_load %arg11[%swap3A_663, %swap3A_664, %swap3A_665] {strides = array<i32>} : memref<8x32x128xf32, #tpu.memory_space<vmem>>, vector<16xf32>,
      tpu.vector_store %arg11[%swap3A_663, %swap3A_664, %swap3A_665], %broadcast_in_dim3A_43 {strides = array<i32>} : memref<8x32x128xf32, #tpu.memory_space<vmem>>, vector<16xf32>,
      %swap3A_667 = arith.constant 7 : i32
      %swap3A_668 = arith.index_cast %swap3A_667 : i32 to index
      %swap3A_669 = arith.index_cast %scan3A_382 : i32 to index
      %swap3A_670 = arith.constant 16 : index
      %swap3A_671 = tpu.vector_load %arg11[%swap3A_668, %swap3A_669, %swap3A_670] {strides = array<i32>} : memref<8x32x128xf32, #tpu.memory_space<vmem>>, vector<16xf32>,
      tpu.vector_store %arg11[%swap3A_668, %swap3A_669, %swap3A_670], %broadcast_in_dim3A_43 {strides = array<i32>} : memref<8x32x128xf32, #tpu.memory_space<vmem>>, vector<16xf32>,
      %swap3A_672 = arith.constant 7 : i32
      %swap3A_673 = arith.index_cast %swap3A_672 : i32 to index
      %swap3A_674 = arith.index_cast %scan3A_382 : i32 to index
      %swap3A_675 = arith.constant 32 : index
      %swap3A_676 = tpu.vector_load %arg11[%swap3A_673, %swap3A_674, %swap3A_675] {strides = array<i32>} : memref<8x32x128xf32, #tpu.memory_space<vmem>>, vector<16xf32>,
      tpu.vector_store %arg11[%swap3A_673, %swap3A_674, %swap3A_675], %broadcast_in_dim3A_43 {strides = array<i32>} : memref<8x32x128xf32, #tpu.memory_space<vmem>>, vector<16xf32>,
      %swap3A_677 = arith.constant 7 : i32
      %swap3A_678 = arith.index_cast %swap3A_677 : i32 to index
      %swap3A_679 = arith.index_cast %scan3A_382 : i32 to index
      %swap3A_680 = arith.constant 48 : index
      %swap3A_681 = tpu.vector_load %arg11[%swap3A_678, %swap3A_679, %swap3A_680] {strides = array<i32>} : memref<8x32x128xf32, #tpu.memory_space<vmem>>, vector<16xf32>,
      tpu.vector_store %arg11[%swap3A_678, %swap3A_679, %swap3A_680], %broadcast_in_dim3A_43 {strides = array<i32>} : memref<8x32x128xf32, #tpu.memory_space<vmem>>, vector<16xf32>,
      %swap3A_682 = arith.constant 7 : i32
      %swap3A_683 = arith.index_cast %swap3A_682 : i32 to index
      %swap3A_684 = arith.index_cast %scan3A_382 : i32 to index
      %swap3A_685 = arith.constant 64 : index
      %swap3A_686 = tpu.vector_load %arg11[%swap3A_683, %swap3A_684, %swap3A_685] {strides = array<i32>} : memref<8x32x128xf32, #tpu.memory_space<vmem>>, vector<16xf32>,
      tpu.vector_store %arg11[%swap3A_683, %swap3A_684, %swap3A_685], %broadcast_in_dim3A_43 {strides = array<i32>} : memref<8x32x128xf32, #tpu.memory_space<vmem>>, vector<16xf32>,
      %swap3A_687 = arith.constant 7 : i32
      %swap3A_688 = arith.index_cast %swap3A_687 : i32 to index
      %swap3A_689 = arith.index_cast %scan3A_382 : i32 to index
      %swap3A_690 = arith.constant 80 : index
      %swap3A_691 = tpu.vector_load %arg11[%swap3A_688, %swap3A_689, %swap3A_690] {strides = array<i32>} : memref<8x32x128xf32, #tpu.memory_space<vmem>>, vector<16xf32>,
      tpu.vector_store %arg11[%swap3A_688, %swap3A_689, %swap3A_690], %broadcast_in_dim3A_43 {strides = array<i32>} : memref<8x32x128xf32, #tpu.memory_space<vmem>>, vector<16xf32>,
      %swap3A_692 = arith.constant 7 : i32
      %swap3A_693 = arith.index_cast %swap3A_692 : i32 to index
      %swap3A_694 = arith.index_cast %scan3A_382 : i32 to index
      %swap3A_695 = arith.constant 96 : index
      %swap3A_696 = tpu.vector_load %arg11[%swap3A_693, %swap3A_694, %swap3A_695] {strides = array<i32>} : memref<8x32x128xf32, #tpu.memory_space<vmem>>, vector<16xf32>,
      tpu.vector_store %arg11[%swap3A_693, %swap3A_694, %swap3A_695], %broadcast_in_dim3A_43 {strides = array<i32>} : memref<8x32x128xf32, #tpu.memory_space<vmem>>, vector<16xf32>,
      %swap3A_697 = arith.constant 7 : i32
      %swap3A_698 = arith.index_cast %swap3A_697 : i32 to index
      %swap3A_699 = arith.index_cast %scan3A_382 : i32 to index
      %swap3A_700 = arith.constant 112 : index
      %swap3A_701 = tpu.vector_load %arg11[%swap3A_698, %swap3A_699, %swap3A_700] {strides = array<i32>} : memref<8x32x128xf32, #tpu.memory_space<vmem>>, vector<16xf32>,
      tpu.vector_store %arg11[%swap3A_698, %swap3A_699, %swap3A_700], %broadcast_in_dim3A_43 {strides = array<i32>} : memref<8x32x128xf32, #tpu.memory_space<vmem>>, vector<16xf32>,
    }
    %scan3A_48 = arith.constant 32 : i32
    %dma_wait3A = arith.constant 0 : i32
    %dma_wait3A_49 = tpu.memref_slice %arg2[%multiple_of3A, %dma_wait3A] : memref<144x128xi32, #tpu.memory_space<hbm>> -> memref<24x128xi32, #tpu.memory_space<hbm>>
    %dma_wait3A_50 = arith.constant 0 : i32
    %dma_wait3A_51 = tpu.memref_slice %arg2[%multiple_of3A, %dma_wait3A_50] : memref<144x128xi32, #tpu.memory_space<hbm>> -> memref<24x128xi32, #tpu.memory_space<hbm>>
    tpu.wait_dma2 semaphore(%arg12 : memref<!tpu.dma_semaphore, #tpu.memory_space<semaphore_mem>>) src(%dma_wait3A_51 : memref<24x128xi32, #tpu.memory_space<hbm>>) dst(%arg7 : memref<24x128xi32, #tpu.memory_space<vmem>>)
    %dma_wait3A_52 = arith.constant 0 : i32
    %dma_wait3A_53 = tpu.memref_slice %arg3[%multiple_of3A, %dma_wait3A_52] : memref<144x128xi32, #tpu.memory_space<hbm>> -> memref<24x128xi32, #tpu.memory_space<hbm>>
    %dma_wait3A_54 = arith.constant 0 : i32
    %dma_wait3A_55 = tpu.memref_slice %arg3[%multiple_of3A, %dma_wait3A_54] : memref<144x128xi32, #tpu.memory_space<hbm>> -> memref<24x128xi32, #tpu.memory_space<hbm>>
    tpu.wait_dma2 semaphore(%arg12 : memref<!tpu.dma_semaphore, #tpu.memory_space<semaphore_mem>>) src(%dma_wait3A_55 : memref<24x128xi32, #tpu.memory_space<hbm>>) dst(%arg8 : memref<24x128xi32, #tpu.memory_space<vmem>>)
    %dma_wait3A_56 = arith.constant 0 : i32
    %dma_wait3A_57 = tpu.memref_slice %arg4[%multiple_of3A, %dma_wait3A_56] : memref<144x128xf32, #tpu.memory_space<hbm>> -> memref<24x128xf32, #tpu.memory_space<hbm>>
    %dma_wait3A_58 = arith.constant 0 : i32
    %dma_wait3A_59 = tpu.memref_slice %arg4[%multiple_of3A, %dma_wait3A_58] : memref<144x128xf32, #tpu.memory_space<hbm>> -> memref<24x128xf32, #tpu.memory_space<hbm>>
    tpu.wait_dma2 semaphore(%arg12 : memref<!tpu.dma_semaphore, #tpu.memory_space<semaphore_mem>>) src(%dma_wait3A_59 : memref<24x128xf32, #tpu.memory_space<hbm>>) dst(%arg9 : memref<24x128xf32, #tpu.memory_space<vmem>>)
    %iota3A = tpu.iota {dimensions = array<i32: 0>} : vector<16xi32>
    %mul3A_60 = arith.constant 128 : i32
    %mul3A_61 = arith.muli %multiple_of3A, %mul3A_60 : i32
    %sub3A_62 = arith.subi %squeeze3A, %mul3A_61 : i32
    %mul3A_63 = arith.constant 128 : i32
    %mul3A_64 = arith.muli %multiple_of3A, %mul3A_63 : i32
    %sub3A_65 = arith.subi %squeeze3A_13, %mul3A_64 : i32
    %jit3A_66 = arith.constant 16 : i32
    %div3A_67 = arith.divsi %sub3A_62, %jit3A_66 : i32
    %sign3A_68 = arith.constant 0 : i32
    %sign3A_69 = arith.cmpi sgt, %sub3A_62, %sign3A_68 : i32
    %sign3A_70 = arith.extui %sign3A_69 : i1 to i32
    %sign3A_71 = arith.constant 0 : i32
    %sign3A_72 = arith.cmpi slt, %sub3A_62, %sign3A_71 : i32
    %sign3A_73 = arith.extui %sign3A_72 : i1 to i32
    %sign3A_74 = arith.subi %sign3A_70, %sign3A_73 : i32
    %sign3A_75 = arith.constant 0 : i32
    %sign3A_76 = arith.cmpi sgt, %jit3A_66, %sign3A_75 : i32
    %sign3A_77 = arith.extui %sign3A_76 : i1 to i32
    %sign3A_78 = arith.constant 0 : i32
    %sign3A_79 = arith.cmpi slt, %jit3A_66, %sign3A_78 : i32
    %sign3A_80 = arith.extui %sign3A_79 : i1 to i32
    %sign3A_81 = arith.subi %sign3A_77, %sign3A_80 : i32
    %ne3A_82 = arith.cmpi ne, %sign3A_74, %sign3A_81 : i32
    %rem3A_83 = arith.remsi %sub3A_62, %jit3A_66 : i32
    %ne3A_84 = arith.constant 0 : i32
    %ne3A_85 = arith.cmpi ne, %rem3A_83, %ne3A_84 : i32
    %and3A_86 = arith.andi %ne3A_82, %ne3A_85 : i1
    %sub3A_87 = arith.constant 1 : i32
    %sub3A_88 = arith.subi %div3A_67, %sub3A_87 : i32
    %select_n3A_89 = arith.select %and3A_86, %sub3A_88, %div3A_67 : i32
    %add3A_90 = arith.constant 16 : i32
    %add3A_91 = arith.addi %sub3A_65, %add3A_90 : i32
    %sub3A_92 = arith.constant 1 : i32
    %sub3A_93 = arith.subi %add3A_91, %sub3A_92 : i32
    %jit3A_94 = arith.constant 16 : i32
    %div3A_95 = arith.divsi %sub3A_93, %jit3A_94 : i32
    %sign3A_96 = arith.constant 0 : i32
    %sign3A_97 = arith.cmpi sgt, %sub3A_93, %sign3A_96 : i32
    %sign3A_98 = arith.extui %sign3A_97 : i1 to i32
    %sign3A_99 = arith.constant 0 : i32
    %sign3A_100 = arith.cmpi slt, %sub3A_93, %sign3A_99 : i32
    %sign3A_101 = arith.extui %sign3A_100 : i1 to i32
    %sign3A_102 = arith.subi %sign3A_98, %sign3A_101 : i32
    %sign3A_103 = arith.constant 0 : i32
    %sign3A_104 = arith.cmpi sgt, %jit3A_94, %sign3A_103 : i32
    %sign3A_105 = arith.extui %sign3A_104 : i1 to i32
    %sign3A_106 = arith.constant 0 : i32
    %sign3A_107 = arith.cmpi slt, %jit3A_94, %sign3A_106 : i32
    %sign3A_108 = arith.extui %sign3A_107 : i1 to i32
    %sign3A_109 = arith.subi %sign3A_105, %sign3A_108 : i32
    %ne3A_110 = arith.cmpi ne, %sign3A_102, %sign3A_109 : i32
    %rem3A_111 = arith.remsi %sub3A_93, %jit3A_94 : i32
    %ne3A_112 = arith.constant 0 : i32
    %ne3A_113 = arith.cmpi ne, %rem3A_111, %ne3A_112 : i32
    %and3A_114 = arith.andi %ne3A_110, %ne3A_113 : i1
    %sub3A_115 = arith.constant 1 : i32
    %sub3A_116 = arith.subi %div3A_95, %sub3A_115 : i32
    %select_n3A_117 = arith.select %and3A_114, %sub3A_116, %div3A_95 : i32
    %while3A = arith.constant 0 : i32
    %while3A_118 = arith.subi %select_n3A_117, %select_n3A_89 : i32
    %while3A_119 = arith.addi %select_n3A_89, %while3A_118 : i32
    %while3A_120 = arith.constant 1 : i32
    %while3A_121 = arith.divsi %while3A_118, %while3A_120 : i32
    %while3A_122 = arith.muli %while3A_121, %while3A_120 : i32
    %while3A_123 = arith.addi %select_n3A_89, %while3A_122 : i32
    %while3A_124 = arith.constant 1 : i32
    scf.for %while3A_382 = %select_n3A_89 to %while3A_123 step %while3A_124  : i32 {
      %mul3A_383 = arith.constant 16 : i32
      %mul3A_384 = arith.muli %while3A_382, %mul3A_383 : i32
      %add3A_385 = vector.broadcast %mul3A_384 : i32 to vector<16xi32>
      %add3A_386 = arith.addi %add3A_385, %iota3A : vector<16xi32>
      %jit3A_387 = arith.constant 8 : i32
      %div3A_388 = arith.divsi %while3A_382, %jit3A_387 : i32
      %sign3A_389 = arith.constant 0 : i32
      %sign3A_390 = arith.cmpi sgt, %while3A_382, %sign3A_389 : i32
      %sign3A_391 = arith.extui %sign3A_390 : i1 to i32
      %sign3A_392 = arith.constant 0 : i32
      %sign3A_393 = arith.cmpi slt, %while3A_382, %sign3A_392 : i32
      %sign3A_394 = arith.extui %sign3A_393 : i1 to i32
      %sign3A_395 = arith.subi %sign3A_391, %sign3A_394 : i32
      %sign3A_396 = arith.constant 0 : i32
      %sign3A_397 = arith.cmpi sgt, %jit3A_387, %sign3A_396 : i32
      %sign3A_398 = arith.extui %sign3A_397 : i1 to i32
      %sign3A_399 = arith.constant 0 : i32
      %sign3A_400 = arith.cmpi slt, %jit3A_387, %sign3A_399 : i32
      %sign3A_401 = arith.extui %sign3A_400 : i1 to i32
      %sign3A_402 = arith.subi %sign3A_398, %sign3A_401 : i32
      %ne3A_403 = arith.cmpi ne, %sign3A_395, %sign3A_402 : i32
      %rem3A_404 = arith.remsi %while3A_382, %jit3A_387 : i32
      %ne3A_405 = arith.constant 0 : i32
      %ne3A_406 = arith.cmpi ne, %rem3A_404, %ne3A_405 : i32
      %and3A_407 = arith.andi %ne3A_403, %ne3A_406 : i1
      %sub3A_408 = arith.constant 1 : i32
      %sub3A_409 = arith.subi %div3A_388, %sub3A_408 : i32
      %select_n3A_410 = arith.select %and3A_407, %sub3A_409, %div3A_388 : i32
      %jit3A_411 = arith.constant 8 : i32
      %eq3A = arith.constant 0 : i32
      %eq3A_412 = arith.cmpi eq, %jit3A_411, %eq3A : i32
      %jit3A_413 = arith.constant 1 : i32
      %select_n3A_414 = arith.select %eq3A_412, %jit3A_413, %jit3A_411 : i32
      %rem3A_415 = arith.remsi %while3A_382, %select_n3A_414 : i32
      %ne3A_416 = arith.constant 0 : i32
      %ne3A_417 = arith.cmpi ne, %rem3A_415, %ne3A_416 : i32
      %lt3A = arith.constant 0 : i32
      %lt3A_418 = arith.cmpi slt, %rem3A_415, %lt3A : i32
      %lt3A_419 = arith.constant 0 : i32
      %lt3A_420 = arith.cmpi slt, %select_n3A_414, %lt3A_419 : i32
      %ne3A_421 = arith.xori %lt3A_418, %lt3A_420 : i1
      %and3A_422 = arith.andi %ne3A_421, %ne3A_417 : i1
      %add3A_423 = arith.addi %rem3A_415, %select_n3A_414 : i32
      %select_n3A_424 = arith.select %and3A_422, %add3A_423, %rem3A_415 : i32
      %mul3A_425 = arith.constant 16 : i32
      %mul3A_426 = arith.muli %select_n3A_424, %mul3A_425 : i32
      %get3A_427 = arith.index_cast %select_n3A_410 : i32 to index
      %get3A_428 = arith.index_cast %mul3A_426 : i32 to index
      %get3A_429 = tpu.vector_load %arg7[%get3A_427, %get3A_428] {strides = array<i32>} : memref<24x128xi32, #tpu.memory_space<vmem>>, vector<16xi32>,
      %get3A_430 = arith.index_cast %select_n3A_410 : i32 to index
      %get3A_431 = arith.index_cast %mul3A_426 : i32 to index
      %get3A_432 = tpu.vector_load %arg8[%get3A_430, %get3A_431] {strides = array<i32>} : memref<24x128xi32, #tpu.memory_space<vmem>>, vector<16xi32>,
      %get3A_433 = arith.index_cast %select_n3A_410 : i32 to index
      %get3A_434 = arith.index_cast %mul3A_426 : i32 to index
      %get3A_435 = tpu.vector_load %arg9[%get3A_433, %get3A_434] {strides = array<i32>} : memref<24x128xf32, #tpu.memory_space<vmem>>, vector<16xf32>,
      %ge3A = vector.broadcast %sub3A_62 : i32 to vector<16xi32>
      %ge3A_436 = arith.cmpi sge, %add3A_386, %ge3A : vector<16xi32>
      %lt3A_437 = vector.broadcast %sub3A_65 : i32 to vector<16xi32>
      %lt3A_438 = arith.cmpi slt, %add3A_386, %lt3A_437 : vector<16xi32>
      %and3A_439 = arith.andi %ge3A_436, %lt3A_438 : vector<16xi1>
      %sub3A_440 = vector.broadcast %mul3A_2 : i32 to vector<16xi32>
      %sub3A_441 = arith.subi %get3A_429, %sub3A_440 : vector<16xi32>
      %jit3A_442 = arith.constant 0 : i32
      %broadcast_in_dim3A_443 = vector.broadcast %jit3A_442 : i32 to vector<16xi32>
      %select_n3A_444 = arith.select %and3A_439, %sub3A_441, %broadcast_in_dim3A_443 : vector<16xi1>, vector<16xi32>
      %jit3A_445 = arith.constant 0 : i32
      %broadcast_in_dim3A_446 = vector.broadcast %jit3A_445 : i32 to vector<16xi32>
      %select_n3A_447 = arith.select %and3A_439, %get3A_432, %broadcast_in_dim3A_446 : vector<16xi1>, vector<16xi32>
      %shift_right_logical3A = arith.constant 7 : i32
      %shift_right_logical3A_448 = vector.broadcast %shift_right_logical3A : i32 to vector<16xi32>
      %shift_right_logical3A_449 = arith.shrui %select_n3A_447, %shift_right_logical3A_448 : vector<16xi32>
      %and3A_450 = arith.constant 127 : i32
      %and3A_451 = vector.broadcast %and3A_450 : i32 to vector<16xi32>
      %and3A_452 = arith.andi %select_n3A_447, %and3A_451 : vector<16xi32>
      tpu.vector_store_idx %arg11[%shift_right_logical3A_449, %select_n3A_444, %and3A_452], %get3A_435 masked %and3A_439 : memref<8x32x128xf32, #tpu.memory_space<vmem>>[vector<16xi32>, vector<16xi32>, vector<16xi32>], vector<16xf32>, vector<16xi1>
    }
    %while3A_125 = arith.constant 1 : i32
    scf.for %while3A_382 = %while3A_123 to %while3A_119 step %while3A_125  : i32 {
      %mul3A_383 = arith.constant 16 : i32
      %mul3A_384 = arith.muli %while3A_382, %mul3A_383 : i32
      %add3A_385 = vector.broadcast %mul3A_384 : i32 to vector<16xi32>
      %add3A_386 = arith.addi %add3A_385, %iota3A : vector<16xi32>
      %jit3A_387 = arith.constant 8 : i32
      %div3A_388 = arith.divsi %while3A_382, %jit3A_387 : i32
      %sign3A_389 = arith.constant 0 : i32
      %sign3A_390 = arith.cmpi sgt, %while3A_382, %sign3A_389 : i32
      %sign3A_391 = arith.extui %sign3A_390 : i1 to i32
      %sign3A_392 = arith.constant 0 : i32
      %sign3A_393 = arith.cmpi slt, %while3A_382, %sign3A_392 : i32
      %sign3A_394 = arith.extui %sign3A_393 : i1 to i32
      %sign3A_395 = arith.subi %sign3A_391, %sign3A_394 : i32
      %sign3A_396 = arith.constant 0 : i32
      %sign3A_397 = arith.cmpi sgt, %jit3A_387, %sign3A_396 : i32
      %sign3A_398 = arith.extui %sign3A_397 : i1 to i32
      %sign3A_399 = arith.constant 0 : i32
      %sign3A_400 = arith.cmpi slt, %jit3A_387, %sign3A_399 : i32
      %sign3A_401 = arith.extui %sign3A_400 : i1 to i32
      %sign3A_402 = arith.subi %sign3A_398, %sign3A_401 : i32
      %ne3A_403 = arith.cmpi ne, %sign3A_395, %sign3A_402 : i32
      %rem3A_404 = arith.remsi %while3A_382, %jit3A_387 : i32
      %ne3A_405 = arith.constant 0 : i32
      %ne3A_406 = arith.cmpi ne, %rem3A_404, %ne3A_405 : i32
      %and3A_407 = arith.andi %ne3A_403, %ne3A_406 : i1
      %sub3A_408 = arith.constant 1 : i32
      %sub3A_409 = arith.subi %div3A_388, %sub3A_408 : i32
      %select_n3A_410 = arith.select %and3A_407, %sub3A_409, %div3A_388 : i32
      %jit3A_411 = arith.constant 8 : i32
      %eq3A = arith.constant 0 : i32
      %eq3A_412 = arith.cmpi eq, %jit3A_411, %eq3A : i32
      %jit3A_413 = arith.constant 1 : i32
      %select_n3A_414 = arith.select %eq3A_412, %jit3A_413, %jit3A_411 : i32
      %rem3A_415 = arith.remsi %while3A_382, %select_n3A_414 : i32
      %ne3A_416 = arith.constant 0 : i32
      %ne3A_417 = arith.cmpi ne, %rem3A_415, %ne3A_416 : i32
      %lt3A = arith.constant 0 : i32
      %lt3A_418 = arith.cmpi slt, %rem3A_415, %lt3A : i32
      %lt3A_419 = arith.constant 0 : i32
      %lt3A_420 = arith.cmpi slt, %select_n3A_414, %lt3A_419 : i32
      %ne3A_421 = arith.xori %lt3A_418, %lt3A_420 : i1
      %and3A_422 = arith.andi %ne3A_421, %ne3A_417 : i1
      %add3A_423 = arith.addi %rem3A_415, %select_n3A_414 : i32
      %select_n3A_424 = arith.select %and3A_422, %add3A_423, %rem3A_415 : i32
      %mul3A_425 = arith.constant 16 : i32
      %mul3A_426 = arith.muli %select_n3A_424, %mul3A_425 : i32
      %get3A_427 = arith.index_cast %select_n3A_410 : i32 to index
      %get3A_428 = arith.index_cast %mul3A_426 : i32 to index
      %get3A_429 = tpu.vector_load %arg7[%get3A_427, %get3A_428] {strides = array<i32>} : memref<24x128xi32, #tpu.memory_space<vmem>>, vector<16xi32>,
      %get3A_430 = arith.index_cast %select_n3A_410 : i32 to index
      %get3A_431 = arith.index_cast %mul3A_426 : i32 to index
      %get3A_432 = tpu.vector_load %arg8[%get3A_430, %get3A_431] {strides = array<i32>} : memref<24x128xi32, #tpu.memory_space<vmem>>, vector<16xi32>,
      %get3A_433 = arith.index_cast %select_n3A_410 : i32 to index
      %get3A_434 = arith.index_cast %mul3A_426 : i32 to index
      %get3A_435 = tpu.vector_load %arg9[%get3A_433, %get3A_434] {strides = array<i32>} : memref<24x128xf32, #tpu.memory_space<vmem>>, vector<16xf32>,
      %ge3A = vector.broadcast %sub3A_62 : i32 to vector<16xi32>
      %ge3A_436 = arith.cmpi sge, %add3A_386, %ge3A : vector<16xi32>
      %lt3A_437 = vector.broadcast %sub3A_65 : i32 to vector<16xi32>
      %lt3A_438 = arith.cmpi slt, %add3A_386, %lt3A_437 : vector<16xi32>
      %and3A_439 = arith.andi %ge3A_436, %lt3A_438 : vector<16xi1>
      %sub3A_440 = vector.broadcast %mul3A_2 : i32 to vector<16xi32>
      %sub3A_441 = arith.subi %get3A_429, %sub3A_440 : vector<16xi32>
      %jit3A_442 = arith.constant 0 : i32
      %broadcast_in_dim3A_443 = vector.broadcast %jit3A_442 : i32 to vector<16xi32>
      %select_n3A_444 = arith.select %and3A_439, %sub3A_441, %broadcast_in_dim3A_443 : vector<16xi1>, vector<16xi32>
      %jit3A_445 = arith.constant 0 : i32
      %broadcast_in_dim3A_446 = vector.broadcast %jit3A_445 : i32 to vector<16xi32>
      %select_n3A_447 = arith.select %and3A_439, %get3A_432, %broadcast_in_dim3A_446 : vector<16xi1>, vector<16xi32>
      %shift_right_logical3A = arith.constant 7 : i32
      %shift_right_logical3A_448 = vector.broadcast %shift_right_logical3A : i32 to vector<16xi32>
      %shift_right_logical3A_449 = arith.shrui %select_n3A_447, %shift_right_logical3A_448 : vector<16xi32>
      %and3A_450 = arith.constant 127 : i32
      %and3A_451 = vector.broadcast %and3A_450 : i32 to vector<16xi32>
      %and3A_452 = arith.andi %select_n3A_447, %and3A_451 : vector<16xi32>
      tpu.vector_store_idx %arg11[%shift_right_logical3A_449, %select_n3A_444, %and3A_452], %get3A_435 masked %and3A_439 : memref<8x32x128xf32, #tpu.memory_space<vmem>>[vector<16xi32>, vector<16xi32>, vector<16xi32>], vector<16xf32>, vector<16xi1>
    }
    %dma_start3A_126 = arith.constant 0 : i32
    %dma_start3A_127 = arith.constant 0 : i32
    %dma_start3A_128 = arith.constant 0 : i32
    %dma_start3A_129 = arith.constant 0 : i32
    %dma_start3A_130 = tpu.memref_slice %arg11[%dma_start3A_126, %dma_start3A_128, %dma_start3A_129] : memref<8x32x128xf32, #tpu.memory_space<vmem>> -> memref<1x32x128xf32, #tpu.memory_space<vmem>>
    %dma_start3A_131 = tpu.memref_squeeze %dma_start3A_130 : memref<1x32x128xf32, #tpu.memory_space<vmem>> -> memref<32x128xf32, #tpu.memory_space<vmem>>
    %dma_start3A_132 = arith.constant 0 : i32
    %dma_start3A_133 = tpu.memref_slice %arg6[%dma_start3A_127, %mul3A_2, %dma_start3A_132] : memref<8x1024x128xf32, #tpu.memory_space<hbm>> -> memref<1x32x128xf32, #tpu.memory_space<hbm>>
    %dma_start3A_134 = tpu.memref_squeeze %dma_start3A_133 : memref<1x32x128xf32, #tpu.memory_space<hbm>> -> memref<32x128xf32, #tpu.memory_space<hbm>>
    %dma_start3A_135 = arith.constant 0 : i32
    %dma_start3A_136 = tpu.memref_slice %arg6[%dma_start3A_127, %mul3A_2, %dma_start3A_135] : memref<8x1024x128xf32, #tpu.memory_space<hbm>> -> memref<1x32x128xf32, #tpu.memory_space<hbm>>
    %dma_start3A_137 = tpu.memref_squeeze %dma_start3A_136 : memref<1x32x128xf32, #tpu.memory_space<hbm>> -> memref<32x128xf32, #tpu.memory_space<hbm>>
    %dma_start3A_138 = arith.constant 0 : i32
    %dma_start3A_139 = arith.constant 0 : i32
    %dma_start3A_140 = tpu.memref_slice %arg11[%dma_start3A_126, %dma_start3A_138, %dma_start3A_139] : memref<8x32x128xf32, #tpu.memory_space<vmem>> -> memref<1x32x128xf32, #tpu.memory_space<vmem>>
    %dma_start3A_141 = tpu.memref_squeeze %dma_start3A_140 : memref<1x32x128xf32, #tpu.memory_space<vmem>> -> memref<32x128xf32, #tpu.memory_space<vmem>>
    tpu.enqueue_dma source(%dma_start3A_141 : memref<32x128xf32, #tpu.memory_space<vmem>>) target(%dma_start3A_137 : memref<32x128xf32, #tpu.memory_space<hbm>>) target_semaphore(%arg12 : memref<!tpu.dma_semaphore, #tpu.memory_space<semaphore_mem>>)
    %dma_start3A_142 = arith.constant 1 : i32
    %dma_start3A_143 = arith.constant 1 : i32
    %dma_start3A_144 = arith.constant 0 : i32
    %dma_start3A_145 = arith.constant 0 : i32
    %dma_start3A_146 = tpu.memref_slice %arg11[%dma_start3A_142, %dma_start3A_144, %dma_start3A_145] : memref<8x32x128xf32, #tpu.memory_space<vmem>> -> memref<1x32x128xf32, #tpu.memory_space<vmem>>
    %dma_start3A_147 = tpu.memref_squeeze %dma_start3A_146 : memref<1x32x128xf32, #tpu.memory_space<vmem>> -> memref<32x128xf32, #tpu.memory_space<vmem>>
    %dma_start3A_148 = arith.constant 0 : i32
    %dma_start3A_149 = tpu.memref_slice %arg6[%dma_start3A_143, %mul3A_2, %dma_start3A_148] : memref<8x1024x128xf32, #tpu.memory_space<hbm>> -> memref<1x32x128xf32, #tpu.memory_space<hbm>>
    %dma_start3A_150 = tpu.memref_squeeze %dma_start3A_149 : memref<1x32x128xf32, #tpu.memory_space<hbm>> -> memref<32x128xf32, #tpu.memory_space<hbm>>
    %dma_start3A_151 = arith.constant 0 : i32
    %dma_start3A_152 = tpu.memref_slice %arg6[%dma_start3A_143, %mul3A_2, %dma_start3A_151] : memref<8x1024x128xf32, #tpu.memory_space<hbm>> -> memref<1x32x128xf32, #tpu.memory_space<hbm>>
    %dma_start3A_153 = tpu.memref_squeeze %dma_start3A_152 : memref<1x32x128xf32, #tpu.memory_space<hbm>> -> memref<32x128xf32, #tpu.memory_space<hbm>>
    %dma_start3A_154 = arith.constant 0 : i32
    %dma_start3A_155 = arith.constant 0 : i32
    %dma_start3A_156 = tpu.memref_slice %arg11[%dma_start3A_142, %dma_start3A_154, %dma_start3A_155] : memref<8x32x128xf32, #tpu.memory_space<vmem>> -> memref<1x32x128xf32, #tpu.memory_space<vmem>>
    %dma_start3A_157 = tpu.memref_squeeze %dma_start3A_156 : memref<1x32x128xf32, #tpu.memory_space<vmem>> -> memref<32x128xf32, #tpu.memory_space<vmem>>
    tpu.enqueue_dma source(%dma_start3A_157 : memref<32x128xf32, #tpu.memory_space<vmem>>) target(%dma_start3A_153 : memref<32x128xf32, #tpu.memory_space<hbm>>) target_semaphore(%arg12 : memref<!tpu.dma_semaphore, #tpu.memory_space<semaphore_mem>>)
    %dma_start3A_158 = arith.constant 2 : i32
    %dma_start3A_159 = arith.constant 2 : i32
    %dma_start3A_160 = arith.constant 0 : i32
    %dma_start3A_161 = arith.constant 0 : i32
    %dma_start3A_162 = tpu.memref_slice %arg11[%dma_start3A_158, %dma_start3A_160, %dma_start3A_161] : memref<8x32x128xf32, #tpu.memory_space<vmem>> -> memref<1x32x128xf32, #tpu.memory_space<vmem>>
    %dma_start3A_163 = tpu.memref_squeeze %dma_start3A_162 : memref<1x32x128xf32, #tpu.memory_space<vmem>> -> memref<32x128xf32, #tpu.memory_space<vmem>>
    %dma_start3A_164 = arith.constant 0 : i32
    %dma_start3A_165 = tpu.memref_slice %arg6[%dma_start3A_159, %mul3A_2, %dma_start3A_164] : memref<8x1024x128xf32, #tpu.memory_space<hbm>> -> memref<1x32x128xf32, #tpu.memory_space<hbm>>
    %dma_start3A_166 = tpu.memref_squeeze %dma_start3A_165 : memref<1x32x128xf32, #tpu.memory_space<hbm>> -> memref<32x128xf32, #tpu.memory_space<hbm>>
    %dma_start3A_167 = arith.constant 0 : i32
    %dma_start3A_168 = tpu.memref_slice %arg6[%dma_start3A_159, %mul3A_2, %dma_start3A_167] : memref<8x1024x128xf32, #tpu.memory_space<hbm>> -> memref<1x32x128xf32, #tpu.memory_space<hbm>>
    %dma_start3A_169 = tpu.memref_squeeze %dma_start3A_168 : memref<1x32x128xf32, #tpu.memory_space<hbm>> -> memref<32x128xf32, #tpu.memory_space<hbm>>
    %dma_start3A_170 = arith.constant 0 : i32
    %dma_start3A_171 = arith.constant 0 : i32
    %dma_start3A_172 = tpu.memref_slice %arg11[%dma_start3A_158, %dma_start3A_170, %dma_start3A_171] : memref<8x32x128xf32, #tpu.memory_space<vmem>> -> memref<1x32x128xf32, #tpu.memory_space<vmem>>
    %dma_start3A_173 = tpu.memref_squeeze %dma_start3A_172 : memref<1x32x128xf32, #tpu.memory_space<vmem>> -> memref<32x128xf32, #tpu.memory_space<vmem>>
    tpu.enqueue_dma source(%dma_start3A_173 : memref<32x128xf32, #tpu.memory_space<vmem>>) target(%dma_start3A_169 : memref<32x128xf32, #tpu.memory_space<hbm>>) target_semaphore(%arg12 : memref<!tpu.dma_semaphore, #tpu.memory_space<semaphore_mem>>)
    %dma_start3A_174 = arith.constant 3 : i32
    %dma_start3A_175 = arith.constant 3 : i32
    %dma_start3A_176 = arith.constant 0 : i32
    %dma_start3A_177 = arith.constant 0 : i32
    %dma_start3A_178 = tpu.memref_slice %arg11[%dma_start3A_174, %dma_start3A_176, %dma_start3A_177] : memref<8x32x128xf32, #tpu.memory_space<vmem>> -> memref<1x32x128xf32, #tpu.memory_space<vmem>>
    %dma_start3A_179 = tpu.memref_squeeze %dma_start3A_178 : memref<1x32x128xf32, #tpu.memory_space<vmem>> -> memref<32x128xf32, #tpu.memory_space<vmem>>
    %dma_start3A_180 = arith.constant 0 : i32
    %dma_start3A_181 = tpu.memref_slice %arg6[%dma_start3A_175, %mul3A_2, %dma_start3A_180] : memref<8x1024x128xf32, #tpu.memory_space<hbm>> -> memref<1x32x128xf32, #tpu.memory_space<hbm>>
    %dma_start3A_182 = tpu.memref_squeeze %dma_start3A_181 : memref<1x32x128xf32, #tpu.memory_space<hbm>> -> memref<32x128xf32, #tpu.memory_space<hbm>>
    %dma_start3A_183 = arith.constant 0 : i32
    %dma_start3A_184 = tpu.memref_slice %arg6[%dma_start3A_175, %mul3A_2, %dma_start3A_183] : memref<8x1024x128xf32, #tpu.memory_space<hbm>> -> memref<1x32x128xf32, #tpu.memory_space<hbm>>
    %dma_start3A_185 = tpu.memref_squeeze %dma_start3A_184 : memref<1x32x128xf32, #tpu.memory_space<hbm>> -> memref<32x128xf32, #tpu.memory_space<hbm>>
    %dma_start3A_186 = arith.constant 0 : i32
    %dma_start3A_187 = arith.constant 0 : i32
    %dma_start3A_188 = tpu.memref_slice %arg11[%dma_start3A_174, %dma_start3A_186, %dma_start3A_187] : memref<8x32x128xf32, #tpu.memory_space<vmem>> -> memref<1x32x128xf32, #tpu.memory_space<vmem>>
    %dma_start3A_189 = tpu.memref_squeeze %dma_start3A_188 : memref<1x32x128xf32, #tpu.memory_space<vmem>> -> memref<32x128xf32, #tpu.memory_space<vmem>>
    tpu.enqueue_dma source(%dma_start3A_189 : memref<32x128xf32, #tpu.memory_space<vmem>>) target(%dma_start3A_185 : memref<32x128xf32, #tpu.memory_space<hbm>>) target_semaphore(%arg12 : memref<!tpu.dma_semaphore, #tpu.memory_space<semaphore_mem>>)
    %dma_start3A_190 = arith.constant 4 : i32
    %dma_start3A_191 = arith.constant 4 : i32
    %dma_start3A_192 = arith.constant 0 : i32
    %dma_start3A_193 = arith.constant 0 : i32
    %dma_start3A_194 = tpu.memref_slice %arg11[%dma_start3A_190, %dma_start3A_192, %dma_start3A_193] : memref<8x32x128xf32, #tpu.memory_space<vmem>> -> memref<1x32x128xf32, #tpu.memory_space<vmem>>
    %dma_start3A_195 = tpu.memref_squeeze %dma_start3A_194 : memref<1x32x128xf32, #tpu.memory_space<vmem>> -> memref<32x128xf32, #tpu.memory_space<vmem>>
    %dma_start3A_196 = arith.constant 0 : i32
    %dma_start3A_197 = tpu.memref_slice %arg6[%dma_start3A_191, %mul3A_2, %dma_start3A_196] : memref<8x1024x128xf32, #tpu.memory_space<hbm>> -> memref<1x32x128xf32, #tpu.memory_space<hbm>>
    %dma_start3A_198 = tpu.memref_squeeze %dma_start3A_197 : memref<1x32x128xf32, #tpu.memory_space<hbm>> -> memref<32x128xf32, #tpu.memory_space<hbm>>
    %dma_start3A_199 = arith.constant 0 : i32
    %dma_start3A_200 = tpu.memref_slice %arg6[%dma_start3A_191, %mul3A_2, %dma_start3A_199] : memref<8x1024x128xf32, #tpu.memory_space<hbm>> -> memref<1x32x128xf32, #tpu.memory_space<hbm>>
    %dma_start3A_201 = tpu.memref_squeeze %dma_start3A_200 : memref<1x32x128xf32, #tpu.memory_space<hbm>> -> memref<32x128xf32, #tpu.memory_space<hbm>>
    %dma_start3A_202 = arith.constant 0 : i32
    %dma_start3A_203 = arith.constant 0 : i32
    %dma_start3A_204 = tpu.memref_slice %arg11[%dma_start3A_190, %dma_start3A_202, %dma_start3A_203] : memref<8x32x128xf32, #tpu.memory_space<vmem>> -> memref<1x32x128xf32, #tpu.memory_space<vmem>>
    %dma_start3A_205 = tpu.memref_squeeze %dma_start3A_204 : memref<1x32x128xf32, #tpu.memory_space<vmem>> -> memref<32x128xf32, #tpu.memory_space<vmem>>
    tpu.enqueue_dma source(%dma_start3A_205 : memref<32x128xf32, #tpu.memory_space<vmem>>) target(%dma_start3A_201 : memref<32x128xf32, #tpu.memory_space<hbm>>) target_semaphore(%arg12 : memref<!tpu.dma_semaphore, #tpu.memory_space<semaphore_mem>>)
    %dma_start3A_206 = arith.constant 5 : i32
    %dma_start3A_207 = arith.constant 5 : i32
    %dma_start3A_208 = arith.constant 0 : i32
    %dma_start3A_209 = arith.constant 0 : i32
    %dma_start3A_210 = tpu.memref_slice %arg11[%dma_start3A_206, %dma_start3A_208, %dma_start3A_209] : memref<8x32x128xf32, #tpu.memory_space<vmem>> -> memref<1x32x128xf32, #tpu.memory_space<vmem>>
    %dma_start3A_211 = tpu.memref_squeeze %dma_start3A_210 : memref<1x32x128xf32, #tpu.memory_space<vmem>> -> memref<32x128xf32, #tpu.memory_space<vmem>>
    %dma_start3A_212 = arith.constant 0 : i32
    %dma_start3A_213 = tpu.memref_slice %arg6[%dma_start3A_207, %mul3A_2, %dma_start3A_212] : memref<8x1024x128xf32, #tpu.memory_space<hbm>> -> memref<1x32x128xf32, #tpu.memory_space<hbm>>
    %dma_start3A_214 = tpu.memref_squeeze %dma_start3A_213 : memref<1x32x128xf32, #tpu.memory_space<hbm>> -> memref<32x128xf32, #tpu.memory_space<hbm>>
    %dma_start3A_215 = arith.constant 0 : i32
    %dma_start3A_216 = tpu.memref_slice %arg6[%dma_start3A_207, %mul3A_2, %dma_start3A_215] : memref<8x1024x128xf32, #tpu.memory_space<hbm>> -> memref<1x32x128xf32, #tpu.memory_space<hbm>>
    %dma_start3A_217 = tpu.memref_squeeze %dma_start3A_216 : memref<1x32x128xf32, #tpu.memory_space<hbm>> -> memref<32x128xf32, #tpu.memory_space<hbm>>
    %dma_start3A_218 = arith.constant 0 : i32
    %dma_start3A_219 = arith.constant 0 : i32
    %dma_start3A_220 = tpu.memref_slice %arg11[%dma_start3A_206, %dma_start3A_218, %dma_start3A_219] : memref<8x32x128xf32, #tpu.memory_space<vmem>> -> memref<1x32x128xf32, #tpu.memory_space<vmem>>
    %dma_start3A_221 = tpu.memref_squeeze %dma_start3A_220 : memref<1x32x128xf32, #tpu.memory_space<vmem>> -> memref<32x128xf32, #tpu.memory_space<vmem>>
    tpu.enqueue_dma source(%dma_start3A_221 : memref<32x128xf32, #tpu.memory_space<vmem>>) target(%dma_start3A_217 : memref<32x128xf32, #tpu.memory_space<hbm>>) target_semaphore(%arg12 : memref<!tpu.dma_semaphore, #tpu.memory_space<semaphore_mem>>)
    %dma_start3A_222 = arith.constant 6 : i32
    %dma_start3A_223 = arith.constant 6 : i32
    %dma_start3A_224 = arith.constant 0 : i32
    %dma_start3A_225 = arith.constant 0 : i32
    %dma_start3A_226 = tpu.memref_slice %arg11[%dma_start3A_222, %dma_start3A_224, %dma_start3A_225] : memref<8x32x128xf32, #tpu.memory_space<vmem>> -> memref<1x32x128xf32, #tpu.memory_space<vmem>>
    %dma_start3A_227 = tpu.memref_squeeze %dma_start3A_226 : memref<1x32x128xf32, #tpu.memory_space<vmem>> -> memref<32x128xf32, #tpu.memory_space<vmem>>
    %dma_start3A_228 = arith.constant 0 : i32
    %dma_start3A_229 = tpu.memref_slice %arg6[%dma_start3A_223, %mul3A_2, %dma_start3A_228] : memref<8x1024x128xf32, #tpu.memory_space<hbm>> -> memref<1x32x128xf32, #tpu.memory_space<hbm>>
    %dma_start3A_230 = tpu.memref_squeeze %dma_start3A_229 : memref<1x32x128xf32, #tpu.memory_space<hbm>> -> memref<32x128xf32, #tpu.memory_space<hbm>>
    %dma_start3A_231 = arith.constant 0 : i32
    %dma_start3A_232 = tpu.memref_slice %arg6[%dma_start3A_223, %mul3A_2, %dma_start3A_231] : memref<8x1024x128xf32, #tpu.memory_space<hbm>> -> memref<1x32x128xf32, #tpu.memory_space<hbm>>
    %dma_start3A_233 = tpu.memref_squeeze %dma_start3A_232 : memref<1x32x128xf32, #tpu.memory_space<hbm>> -> memref<32x128xf32, #tpu.memory_space<hbm>>
    %dma_start3A_234 = arith.constant 0 : i32
    %dma_start3A_235 = arith.constant 0 : i32
    %dma_start3A_236 = tpu.memref_slice %arg11[%dma_start3A_222, %dma_start3A_234, %dma_start3A_235] : memref<8x32x128xf32, #tpu.memory_space<vmem>> -> memref<1x32x128xf32, #tpu.memory_space<vmem>>
    %dma_start3A_237 = tpu.memref_squeeze %dma_start3A_236 : memref<1x32x128xf32, #tpu.memory_space<vmem>> -> memref<32x128xf32, #tpu.memory_space<vmem>>
    tpu.enqueue_dma source(%dma_start3A_237 : memref<32x128xf32, #tpu.memory_space<vmem>>) target(%dma_start3A_233 : memref<32x128xf32, #tpu.memory_space<hbm>>) target_semaphore(%arg12 : memref<!tpu.dma_semaphore, #tpu.memory_space<semaphore_mem>>)
    %dma_start3A_238 = arith.constant 7 : i32
    %dma_start3A_239 = arith.constant 7 : i32
    %dma_start3A_240 = arith.constant 0 : i32
    %dma_start3A_241 = arith.constant 0 : i32
    %dma_start3A_242 = tpu.memref_slice %arg11[%dma_start3A_238, %dma_start3A_240, %dma_start3A_241] : memref<8x32x128xf32, #tpu.memory_space<vmem>> -> memref<1x32x128xf32, #tpu.memory_space<vmem>>
    %dma_start3A_243 = tpu.memref_squeeze %dma_start3A_242 : memref<1x32x128xf32, #tpu.memory_space<vmem>> -> memref<32x128xf32, #tpu.memory_space<vmem>>
    %dma_start3A_244 = arith.constant 0 : i32
    %dma_start3A_245 = tpu.memref_slice %arg6[%dma_start3A_239, %mul3A_2, %dma_start3A_244] : memref<8x1024x128xf32, #tpu.memory_space<hbm>> -> memref<1x32x128xf32, #tpu.memory_space<hbm>>
    %dma_start3A_246 = tpu.memref_squeeze %dma_start3A_245 : memref<1x32x128xf32, #tpu.memory_space<hbm>> -> memref<32x128xf32, #tpu.memory_space<hbm>>
    %dma_start3A_247 = arith.constant 0 : i32
    %dma_start3A_248 = tpu.memref_slice %arg6[%dma_start3A_239, %mul3A_2, %dma_start3A_247] : memref<8x1024x128xf32, #tpu.memory_space<hbm>> -> memref<1x32x128xf32, #tpu.memory_space<hbm>>
    %dma_start3A_249 = tpu.memref_squeeze %dma_start3A_248 : memref<1x32x128xf32, #tpu.memory_space<hbm>> -> memref<32x128xf32, #tpu.memory_space<hbm>>
    %dma_start3A_250 = arith.constant 0 : i32
    %dma_start3A_251 = arith.constant 0 : i32
    %dma_start3A_252 = tpu.memref_slice %arg11[%dma_start3A_238, %dma_start3A_250, %dma_start3A_251] : memref<8x32x128xf32, #tpu.memory_space<vmem>> -> memref<1x32x128xf32, #tpu.memory_space<vmem>>
    %dma_start3A_253 = tpu.memref_squeeze %dma_start3A_252 : memref<1x32x128xf32, #tpu.memory_space<vmem>> -> memref<32x128xf32, #tpu.memory_space<vmem>>
    tpu.enqueue_dma source(%dma_start3A_253 : memref<32x128xf32, #tpu.memory_space<vmem>>) target(%dma_start3A_249 : memref<32x128xf32, #tpu.memory_space<hbm>>) target_semaphore(%arg12 : memref<!tpu.dma_semaphore, #tpu.memory_space<semaphore_mem>>)
    %dma_wait3A_254 = arith.constant 0 : i32
    %dma_wait3A_255 = arith.constant 0 : i32
    %dma_wait3A_256 = arith.constant 0 : i32
    %dma_wait3A_257 = arith.constant 0 : i32
    %dma_wait3A_258 = tpu.memref_slice %arg11[%dma_wait3A_254, %dma_wait3A_256, %dma_wait3A_257] : memref<8x32x128xf32, #tpu.memory_space<vmem>> -> memref<1x32x128xf32, #tpu.memory_space<vmem>>
    %dma_wait3A_259 = tpu.memref_squeeze %dma_wait3A_258 : memref<1x32x128xf32, #tpu.memory_space<vmem>> -> memref<32x128xf32, #tpu.memory_space<vmem>>
    %dma_wait3A_260 = arith.constant 0 : i32
    %dma_wait3A_261 = tpu.memref_slice %arg6[%dma_wait3A_255, %mul3A_2, %dma_wait3A_260] : memref<8x1024x128xf32, #tpu.memory_space<hbm>> -> memref<1x32x128xf32, #tpu.memory_space<hbm>>
    %dma_wait3A_262 = tpu.memref_squeeze %dma_wait3A_261 : memref<1x32x128xf32, #tpu.memory_space<hbm>> -> memref<32x128xf32, #tpu.memory_space<hbm>>
    %dma_wait3A_263 = arith.constant 0 : i32
    %dma_wait3A_264 = tpu.memref_slice %arg6[%dma_wait3A_255, %mul3A_2, %dma_wait3A_263] : memref<8x1024x128xf32, #tpu.memory_space<hbm>> -> memref<1x32x128xf32, #tpu.memory_space<hbm>>
    %dma_wait3A_265 = tpu.memref_squeeze %dma_wait3A_264 : memref<1x32x128xf32, #tpu.memory_space<hbm>> -> memref<32x128xf32, #tpu.memory_space<hbm>>
    %dma_wait3A_266 = arith.constant 0 : i32
    %dma_wait3A_267 = arith.constant 0 : i32
    %dma_wait3A_268 = tpu.memref_slice %arg11[%dma_wait3A_254, %dma_wait3A_266, %dma_wait3A_267] : memref<8x32x128xf32, #tpu.memory_space<vmem>> -> memref<1x32x128xf32, #tpu.memory_space<vmem>>
    %dma_wait3A_269 = tpu.memref_squeeze %dma_wait3A_268 : memref<1x32x128xf32, #tpu.memory_space<vmem>> -> memref<32x128xf32, #tpu.memory_space<vmem>>
    tpu.wait_dma2 semaphore(%arg12 : memref<!tpu.dma_semaphore, #tpu.memory_space<semaphore_mem>>) src(%dma_wait3A_269 : memref<32x128xf32, #tpu.memory_space<vmem>>) dst(%dma_wait3A_265 : memref<32x128xf32, #tpu.memory_space<hbm>>)
    %dma_wait3A_270 = arith.constant 1 : i32
    %dma_wait3A_271 = arith.constant 1 : i32
    %dma_wait3A_272 = arith.constant 0 : i32
    %dma_wait3A_273 = arith.constant 0 : i32
    %dma_wait3A_274 = tpu.memref_slice %arg11[%dma_wait3A_270, %dma_wait3A_272, %dma_wait3A_273] : memref<8x32x128xf32, #tpu.memory_space<vmem>> -> memref<1x32x128xf32, #tpu.memory_space<vmem>>
    %dma_wait3A_275 = tpu.memref_squeeze %dma_wait3A_274 : memref<1x32x128xf32, #tpu.memory_space<vmem>> -> memref<32x128xf32, #tpu.memory_space<vmem>>
    %dma_wait3A_276 = arith.constant 0 : i32
    %dma_wait3A_277 = tpu.memref_slice %arg6[%dma_wait3A_271, %mul3A_2, %dma_wait3A_276] : memref<8x1024x128xf32, #tpu.memory_space<hbm>> -> memref<1x32x128xf32, #tpu.memory_space<hbm>>
    %dma_wait3A_278 = tpu.memref_squeeze %dma_wait3A_277 : memref<1x32x128xf32, #tpu.memory_space<hbm>> -> memref<32x128xf32, #tpu.memory_space<hbm>>
    %dma_wait3A_279 = arith.constant 0 : i32
    %dma_wait3A_280 = tpu.memref_slice %arg6[%dma_wait3A_271, %mul3A_2, %dma_wait3A_279] : memref<8x1024x128xf32, #tpu.memory_space<hbm>> -> memref<1x32x128xf32, #tpu.memory_space<hbm>>
    %dma_wait3A_281 = tpu.memref_squeeze %dma_wait3A_280 : memref<1x32x128xf32, #tpu.memory_space<hbm>> -> memref<32x128xf32, #tpu.memory_space<hbm>>
    %dma_wait3A_282 = arith.constant 0 : i32
    %dma_wait3A_283 = arith.constant 0 : i32
    %dma_wait3A_284 = tpu.memref_slice %arg11[%dma_wait3A_270, %dma_wait3A_282, %dma_wait3A_283] : memref<8x32x128xf32, #tpu.memory_space<vmem>> -> memref<1x32x128xf32, #tpu.memory_space<vmem>>
    %dma_wait3A_285 = tpu.memref_squeeze %dma_wait3A_284 : memref<1x32x128xf32, #tpu.memory_space<vmem>> -> memref<32x128xf32, #tpu.memory_space<vmem>>
    tpu.wait_dma2 semaphore(%arg12 : memref<!tpu.dma_semaphore, #tpu.memory_space<semaphore_mem>>) src(%dma_wait3A_285 : memref<32x128xf32, #tpu.memory_space<vmem>>) dst(%dma_wait3A_281 : memref<32x128xf32, #tpu.memory_space<hbm>>)
    %dma_wait3A_286 = arith.constant 2 : i32
    %dma_wait3A_287 = arith.constant 2 : i32
    %dma_wait3A_288 = arith.constant 0 : i32
    %dma_wait3A_289 = arith.constant 0 : i32
    %dma_wait3A_290 = tpu.memref_slice %arg11[%dma_wait3A_286, %dma_wait3A_288, %dma_wait3A_289] : memref<8x32x128xf32, #tpu.memory_space<vmem>> -> memref<1x32x128xf32, #tpu.memory_space<vmem>>
    %dma_wait3A_291 = tpu.memref_squeeze %dma_wait3A_290 : memref<1x32x128xf32, #tpu.memory_space<vmem>> -> memref<32x128xf32, #tpu.memory_space<vmem>>
    %dma_wait3A_292 = arith.constant 0 : i32
    %dma_wait3A_293 = tpu.memref_slice %arg6[%dma_wait3A_287, %mul3A_2, %dma_wait3A_292] : memref<8x1024x128xf32, #tpu.memory_space<hbm>> -> memref<1x32x128xf32, #tpu.memory_space<hbm>>
    %dma_wait3A_294 = tpu.memref_squeeze %dma_wait3A_293 : memref<1x32x128xf32, #tpu.memory_space<hbm>> -> memref<32x128xf32, #tpu.memory_space<hbm>>
    %dma_wait3A_295 = arith.constant 0 : i32
    %dma_wait3A_296 = tpu.memref_slice %arg6[%dma_wait3A_287, %mul3A_2, %dma_wait3A_295] : memref<8x1024x128xf32, #tpu.memory_space<hbm>> -> memref<1x32x128xf32, #tpu.memory_space<hbm>>
    %dma_wait3A_297 = tpu.memref_squeeze %dma_wait3A_296 : memref<1x32x128xf32, #tpu.memory_space<hbm>> -> memref<32x128xf32, #tpu.memory_space<hbm>>
    %dma_wait3A_298 = arith.constant 0 : i32
    %dma_wait3A_299 = arith.constant 0 : i32
    %dma_wait3A_300 = tpu.memref_slice %arg11[%dma_wait3A_286, %dma_wait3A_298, %dma_wait3A_299] : memref<8x32x128xf32, #tpu.memory_space<vmem>> -> memref<1x32x128xf32, #tpu.memory_space<vmem>>
    %dma_wait3A_301 = tpu.memref_squeeze %dma_wait3A_300 : memref<1x32x128xf32, #tpu.memory_space<vmem>> -> memref<32x128xf32, #tpu.memory_space<vmem>>
    tpu.wait_dma2 semaphore(%arg12 : memref<!tpu.dma_semaphore, #tpu.memory_space<semaphore_mem>>) src(%dma_wait3A_301 : memref<32x128xf32, #tpu.memory_space<vmem>>) dst(%dma_wait3A_297 : memref<32x128xf32, #tpu.memory_space<hbm>>)
    %dma_wait3A_302 = arith.constant 3 : i32
    %dma_wait3A_303 = arith.constant 3 : i32
    %dma_wait3A_304 = arith.constant 0 : i32
    %dma_wait3A_305 = arith.constant 0 : i32
    %dma_wait3A_306 = tpu.memref_slice %arg11[%dma_wait3A_302, %dma_wait3A_304, %dma_wait3A_305] : memref<8x32x128xf32, #tpu.memory_space<vmem>> -> memref<1x32x128xf32, #tpu.memory_space<vmem>>
    %dma_wait3A_307 = tpu.memref_squeeze %dma_wait3A_306 : memref<1x32x128xf32, #tpu.memory_space<vmem>> -> memref<32x128xf32, #tpu.memory_space<vmem>>
    %dma_wait3A_308 = arith.constant 0 : i32
    %dma_wait3A_309 = tpu.memref_slice %arg6[%dma_wait3A_303, %mul3A_2, %dma_wait3A_308] : memref<8x1024x128xf32, #tpu.memory_space<hbm>> -> memref<1x32x128xf32, #tpu.memory_space<hbm>>
    %dma_wait3A_310 = tpu.memref_squeeze %dma_wait3A_309 : memref<1x32x128xf32, #tpu.memory_space<hbm>> -> memref<32x128xf32, #tpu.memory_space<hbm>>
    %dma_wait3A_311 = arith.constant 0 : i32
    %dma_wait3A_312 = tpu.memref_slice %arg6[%dma_wait3A_303, %mul3A_2, %dma_wait3A_311] : memref<8x1024x128xf32, #tpu.memory_space<hbm>> -> memref<1x32x128xf32, #tpu.memory_space<hbm>>
    %dma_wait3A_313 = tpu.memref_squeeze %dma_wait3A_312 : memref<1x32x128xf32, #tpu.memory_space<hbm>> -> memref<32x128xf32, #tpu.memory_space<hbm>>
    %dma_wait3A_314 = arith.constant 0 : i32
    %dma_wait3A_315 = arith.constant 0 : i32
    %dma_wait3A_316 = tpu.memref_slice %arg11[%dma_wait3A_302, %dma_wait3A_314, %dma_wait3A_315] : memref<8x32x128xf32, #tpu.memory_space<vmem>> -> memref<1x32x128xf32, #tpu.memory_space<vmem>>
    %dma_wait3A_317 = tpu.memref_squeeze %dma_wait3A_316 : memref<1x32x128xf32, #tpu.memory_space<vmem>> -> memref<32x128xf32, #tpu.memory_space<vmem>>
    tpu.wait_dma2 semaphore(%arg12 : memref<!tpu.dma_semaphore, #tpu.memory_space<semaphore_mem>>) src(%dma_wait3A_317 : memref<32x128xf32, #tpu.memory_space<vmem>>) dst(%dma_wait3A_313 : memref<32x128xf32, #tpu.memory_space<hbm>>)
    %dma_wait3A_318 = arith.constant 4 : i32
    %dma_wait3A_319 = arith.constant 4 : i32
    %dma_wait3A_320 = arith.constant 0 : i32
    %dma_wait3A_321 = arith.constant 0 : i32
    %dma_wait3A_322 = tpu.memref_slice %arg11[%dma_wait3A_318, %dma_wait3A_320, %dma_wait3A_321] : memref<8x32x128xf32, #tpu.memory_space<vmem>> -> memref<1x32x128xf32, #tpu.memory_space<vmem>>
    %dma_wait3A_323 = tpu.memref_squeeze %dma_wait3A_322 : memref<1x32x128xf32, #tpu.memory_space<vmem>> -> memref<32x128xf32, #tpu.memory_space<vmem>>
    %dma_wait3A_324 = arith.constant 0 : i32
    %dma_wait3A_325 = tpu.memref_slice %arg6[%dma_wait3A_319, %mul3A_2, %dma_wait3A_324] : memref<8x1024x128xf32, #tpu.memory_space<hbm>> -> memref<1x32x128xf32, #tpu.memory_space<hbm>>
    %dma_wait3A_326 = tpu.memref_squeeze %dma_wait3A_325 : memref<1x32x128xf32, #tpu.memory_space<hbm>> -> memref<32x128xf32, #tpu.memory_space<hbm>>
    %dma_wait3A_327 = arith.constant 0 : i32
    %dma_wait3A_328 = tpu.memref_slice %arg6[%dma_wait3A_319, %mul3A_2, %dma_wait3A_327] : memref<8x1024x128xf32, #tpu.memory_space<hbm>> -> memref<1x32x128xf32, #tpu.memory_space<hbm>>
    %dma_wait3A_329 = tpu.memref_squeeze %dma_wait3A_328 : memref<1x32x128xf32, #tpu.memory_space<hbm>> -> memref<32x128xf32, #tpu.memory_space<hbm>>
    %dma_wait3A_330 = arith.constant 0 : i32
    %dma_wait3A_331 = arith.constant 0 : i32
    %dma_wait3A_332 = tpu.memref_slice %arg11[%dma_wait3A_318, %dma_wait3A_330, %dma_wait3A_331] : memref<8x32x128xf32, #tpu.memory_space<vmem>> -> memref<1x32x128xf32, #tpu.memory_space<vmem>>
    %dma_wait3A_333 = tpu.memref_squeeze %dma_wait3A_332 : memref<1x32x128xf32, #tpu.memory_space<vmem>> -> memref<32x128xf32, #tpu.memory_space<vmem>>
    tpu.wait_dma2 semaphore(%arg12 : memref<!tpu.dma_semaphore, #tpu.memory_space<semaphore_mem>>) src(%dma_wait3A_333 : memref<32x128xf32, #tpu.memory_space<vmem>>) dst(%dma_wait3A_329 : memref<32x128xf32, #tpu.memory_space<hbm>>)
    %dma_wait3A_334 = arith.constant 5 : i32
    %dma_wait3A_335 = arith.constant 5 : i32
    %dma_wait3A_336 = arith.constant 0 : i32
    %dma_wait3A_337 = arith.constant 0 : i32
    %dma_wait3A_338 = tpu.memref_slice %arg11[%dma_wait3A_334, %dma_wait3A_336, %dma_wait3A_337] : memref<8x32x128xf32, #tpu.memory_space<vmem>> -> memref<1x32x128xf32, #tpu.memory_space<vmem>>
    %dma_wait3A_339 = tpu.memref_squeeze %dma_wait3A_338 : memref<1x32x128xf32, #tpu.memory_space<vmem>> -> memref<32x128xf32, #tpu.memory_space<vmem>>
    %dma_wait3A_340 = arith.constant 0 : i32
    %dma_wait3A_341 = tpu.memref_slice %arg6[%dma_wait3A_335, %mul3A_2, %dma_wait3A_340] : memref<8x1024x128xf32, #tpu.memory_space<hbm>> -> memref<1x32x128xf32, #tpu.memory_space<hbm>>
    %dma_wait3A_342 = tpu.memref_squeeze %dma_wait3A_341 : memref<1x32x128xf32, #tpu.memory_space<hbm>> -> memref<32x128xf32, #tpu.memory_space<hbm>>
    %dma_wait3A_343 = arith.constant 0 : i32
    %dma_wait3A_344 = tpu.memref_slice %arg6[%dma_wait3A_335, %mul3A_2, %dma_wait3A_343] : memref<8x1024x128xf32, #tpu.memory_space<hbm>> -> memref<1x32x128xf32, #tpu.memory_space<hbm>>
    %dma_wait3A_345 = tpu.memref_squeeze %dma_wait3A_344 : memref<1x32x128xf32, #tpu.memory_space<hbm>> -> memref<32x128xf32, #tpu.memory_space<hbm>>
    %dma_wait3A_346 = arith.constant 0 : i32
    %dma_wait3A_347 = arith.constant 0 : i32
    %dma_wait3A_348 = tpu.memref_slice %arg11[%dma_wait3A_334, %dma_wait3A_346, %dma_wait3A_347] : memref<8x32x128xf32, #tpu.memory_space<vmem>> -> memref<1x32x128xf32, #tpu.memory_space<vmem>>
    %dma_wait3A_349 = tpu.memref_squeeze %dma_wait3A_348 : memref<1x32x128xf32, #tpu.memory_space<vmem>> -> memref<32x128xf32, #tpu.memory_space<vmem>>
    tpu.wait_dma2 semaphore(%arg12 : memref<!tpu.dma_semaphore, #tpu.memory_space<semaphore_mem>>) src(%dma_wait3A_349 : memref<32x128xf32, #tpu.memory_space<vmem>>) dst(%dma_wait3A_345 : memref<32x128xf32, #tpu.memory_space<hbm>>)
    %dma_wait3A_350 = arith.constant 6 : i32
    %dma_wait3A_351 = arith.constant 6 : i32
    %dma_wait3A_352 = arith.constant 0 : i32
    %dma_wait3A_353 = arith.constant 0 : i32
    %dma_wait3A_354 = tpu.memref_slice %arg11[%dma_wait3A_350, %dma_wait3A_352, %dma_wait3A_353] : memref<8x32x128xf32, #tpu.memory_space<vmem>> -> memref<1x32x128xf32, #tpu.memory_space<vmem>>
    %dma_wait3A_355 = tpu.memref_squeeze %dma_wait3A_354 : memref<1x32x128xf32, #tpu.memory_space<vmem>> -> memref<32x128xf32, #tpu.memory_space<vmem>>
    %dma_wait3A_356 = arith.constant 0 : i32
    %dma_wait3A_357 = tpu.memref_slice %arg6[%dma_wait3A_351, %mul3A_2, %dma_wait3A_356] : memref<8x1024x128xf32, #tpu.memory_space<hbm>> -> memref<1x32x128xf32, #tpu.memory_space<hbm>>
    %dma_wait3A_358 = tpu.memref_squeeze %dma_wait3A_357 : memref<1x32x128xf32, #tpu.memory_space<hbm>> -> memref<32x128xf32, #tpu.memory_space<hbm>>
    %dma_wait3A_359 = arith.constant 0 : i32
    %dma_wait3A_360 = tpu.memref_slice %arg6[%dma_wait3A_351, %mul3A_2, %dma_wait3A_359] : memref<8x1024x128xf32, #tpu.memory_space<hbm>> -> memref<1x32x128xf32, #tpu.memory_space<hbm>>
    %dma_wait3A_361 = tpu.memref_squeeze %dma_wait3A_360 : memref<1x32x128xf32, #tpu.memory_space<hbm>> -> memref<32x128xf32, #tpu.memory_space<hbm>>
    %dma_wait3A_362 = arith.constant 0 : i32
    %dma_wait3A_363 = arith.constant 0 : i32
    %dma_wait3A_364 = tpu.memref_slice %arg11[%dma_wait3A_350, %dma_wait3A_362, %dma_wait3A_363] : memref<8x32x128xf32, #tpu.memory_space<vmem>> -> memref<1x32x128xf32, #tpu.memory_space<vmem>>
    %dma_wait3A_365 = tpu.memref_squeeze %dma_wait3A_364 : memref<1x32x128xf32, #tpu.memory_space<vmem>> -> memref<32x128xf32, #tpu.memory_space<vmem>>
    tpu.wait_dma2 semaphore(%arg12 : memref<!tpu.dma_semaphore, #tpu.memory_space<semaphore_mem>>) src(%dma_wait3A_365 : memref<32x128xf32, #tpu.memory_space<vmem>>) dst(%dma_wait3A_361 : memref<32x128xf32, #tpu.memory_space<hbm>>)
    %dma_wait3A_366 = arith.constant 7 : i32
    %dma_wait3A_367 = arith.constant 7 : i32
    %dma_wait3A_368 = arith.constant 0 : i32
    %dma_wait3A_369 = arith.constant 0 : i32
    %dma_wait3A_370 = tpu.memref_slice %arg11[%dma_wait3A_366, %dma_wait3A_368, %dma_wait3A_369] : memref<8x32x128xf32, #tpu.memory_space<vmem>> -> memref<1x32x128xf32, #tpu.memory_space<vmem>>
    %dma_wait3A_371 = tpu.memref_squeeze %dma_wait3A_370 : memref<1x32x128xf32, #tpu.memory_space<vmem>> -> memref<32x128xf32, #tpu.memory_space<vmem>>
    %dma_wait3A_372 = arith.constant 0 : i32
    %dma_wait3A_373 = tpu.memref_slice %arg6[%dma_wait3A_367, %mul3A_2, %dma_wait3A_372] : memref<8x1024x128xf32, #tpu.memory_space<hbm>> -> memref<1x32x128xf32, #tpu.memory_space<hbm>>
    %dma_wait3A_374 = tpu.memref_squeeze %dma_wait3A_373 : memref<1x32x128xf32, #tpu.memory_space<hbm>> -> memref<32x128xf32, #tpu.memory_space<hbm>>
    %dma_wait3A_375 = arith.constant 0 : i32
    %dma_wait3A_376 = tpu.memref_slice %arg6[%dma_wait3A_367, %mul3A_2, %dma_wait3A_375] : memref<8x1024x128xf32, #tpu.memory_space<hbm>> -> memref<1x32x128xf32, #tpu.memory_space<hbm>>
    %dma_wait3A_377 = tpu.memref_squeeze %dma_wait3A_376 : memref<1x32x128xf32, #tpu.memory_space<hbm>> -> memref<32x128xf32, #tpu.memory_space<hbm>>
    %dma_wait3A_378 = arith.constant 0 : i32
    %dma_wait3A_379 = arith.constant 0 : i32
    %dma_wait3A_380 = tpu.memref_slice %arg11[%dma_wait3A_366, %dma_wait3A_378, %dma_wait3A_379] : memref<8x32x128xf32, #tpu.memory_space<vmem>> -> memref<1x32x128xf32, #tpu.memory_space<vmem>>
    %dma_wait3A_381 = tpu.memref_squeeze %dma_wait3A_380 : memref<1x32x128xf32, #tpu.memory_space<vmem>> -> memref<32x128xf32, #tpu.memory_space<vmem>>
    tpu.wait_dma2 semaphore(%arg12 : memref<!tpu.dma_semaphore, #tpu.memory_space<semaphore_mem>>) src(%dma_wait3A_381 : memref<32x128xf32, #tpu.memory_space<vmem>>) dst(%dma_wait3A_377 : memref<32x128xf32, #tpu.memory_space<hbm>>)
    return
  }
}

module attributes {stable_mosaic.version = 14 : i64} {
  func.func @body(%arg0: i32, %arg1: memref<12x1024x64xf32, #tpu.memory_space<vmem>>, %arg2: memref<64x64xf32, #tpu.memory_space<vmem>>, %arg3: memref<12x1024x64xbf16, #tpu.memory_space<vmem>>) attributes {dimension_semantics = [#tpu.dimension_semantics<arbitrary>], iteration_bounds = array<i64: 4>, scalar_prefetch = 0 : i64, scratch_operands = 0 : i64, tpu.core_type = #tpu.core_type<tc>, window_params = [{transform_indices = @transform_0, window_bounds = array<i64: 12, 1024, 64>}, {pipeline_mode = #tpu.pipeline_mode<synchronous>, transform_indices = @transform_1, window_bounds = array<i64: 64, 64>}, {transform_indices = @transform_2, window_bounds = array<i64: 12, 1024, 64>}]} {
    %get3A = arith.constant 0 : index
    %get3A_0 = arith.constant 0 : index
    %get3A_1 = arith.constant 0 : index
    %get3A_2 = vector.load %arg1[%get3A, %get3A_0, %get3A_1] : memref<12x1024x64xf32, #tpu.memory_space<vmem>>, vector<1x1024x64xf32>
    %get3A_3 = vector.shape_cast %get3A_2 : vector<1x1024x64xf32> to vector<1024x64xf32>
    %get3A_4 = arith.constant 0 : index
    %get3A_5 = arith.constant 0 : index
    %get3A_6 = vector.load %arg2[%get3A_4, %get3A_5] : memref<64x64xf32, #tpu.memory_space<vmem>>, vector<64x64xf32>
    %dot_general3A = arith.constant dense<0.000000e+00> : vector<1024x64xf32>
    %dot_general3A_7 = tpu.matmul %get3A_3, %get3A_6, %dot_general3A {dimension_numbers = #tpu.dot_dimension_numbers<[1], [0], [0], [1], [0, 0, 1, 1], [], []>, transpose_lhs_hint = false} : vector<1024x64xf32>, vector<64x64xf32>, vector<1024x64xf32> -> vector<1024x64xf32>
    %convert_element_type3A = arith.truncf %dot_general3A_7 : vector<1024x64xf32> to vector<1024x64xbf16>
    %swap3A = arith.constant 0 : index
    %swap3A_8 = arith.constant 0 : index
    %swap3A_9 = arith.constant 0 : index
    %swap3A_10 = vector.load %arg3[%swap3A, %swap3A_8, %swap3A_9] : memref<12x1024x64xbf16, #tpu.memory_space<vmem>>, vector<1x1024x64xbf16>
    %swap3A_11 = vector.shape_cast %swap3A_10 : vector<1x1024x64xbf16> to vector<1024x64xbf16>
    %swap3A_12 = vector.shape_cast %convert_element_type3A : vector<1024x64xbf16> to vector<1x1024x64xbf16>
    tpu.vector_store %arg3[%swap3A, %swap3A_8, %swap3A_9], %swap3A_12 {strides = array<i32>} : memref<12x1024x64xbf16, #tpu.memory_space<vmem>>, vector<1x1024x64xbf16>,
    %get3A_13 = arith.constant 1 : index
    %get3A_14 = arith.constant 0 : index
    %get3A_15 = arith.constant 0 : index
    %get3A_16 = vector.load %arg1[%get3A_13, %get3A_14, %get3A_15] : memref<12x1024x64xf32, #tpu.memory_space<vmem>>, vector<1x1024x64xf32>
    %get3A_17 = vector.shape_cast %get3A_16 : vector<1x1024x64xf32> to vector<1024x64xf32>
    %get3A_18 = arith.constant 0 : index
    %get3A_19 = arith.constant 0 : index
    %get3A_20 = vector.load %arg2[%get3A_18, %get3A_19] : memref<64x64xf32, #tpu.memory_space<vmem>>, vector<64x64xf32>
    %dot_general3A_21 = arith.constant dense<0.000000e+00> : vector<1024x64xf32>
    %dot_general3A_22 = tpu.matmul %get3A_17, %get3A_20, %dot_general3A_21 {dimension_numbers = #tpu.dot_dimension_numbers<[1], [0], [0], [1], [0, 0, 1, 1], [], []>, transpose_lhs_hint = false} : vector<1024x64xf32>, vector<64x64xf32>, vector<1024x64xf32> -> vector<1024x64xf32>
    %convert_element_type3A_23 = arith.truncf %dot_general3A_22 : vector<1024x64xf32> to vector<1024x64xbf16>
    %swap3A_24 = arith.constant 1 : index
    %swap3A_25 = arith.constant 0 : index
    %swap3A_26 = arith.constant 0 : index
    %swap3A_27 = vector.load %arg3[%swap3A_24, %swap3A_25, %swap3A_26] : memref<12x1024x64xbf16, #tpu.memory_space<vmem>>, vector<1x1024x64xbf16>
    %swap3A_28 = vector.shape_cast %swap3A_27 : vector<1x1024x64xbf16> to vector<1024x64xbf16>
    %swap3A_29 = vector.shape_cast %convert_element_type3A_23 : vector<1024x64xbf16> to vector<1x1024x64xbf16>
    tpu.vector_store %arg3[%swap3A_24, %swap3A_25, %swap3A_26], %swap3A_29 {strides = array<i32>} : memref<12x1024x64xbf16, #tpu.memory_space<vmem>>, vector<1x1024x64xbf16>,
    %get3A_30 = arith.constant 2 : index
    %get3A_31 = arith.constant 0 : index
    %get3A_32 = arith.constant 0 : index
    %get3A_33 = vector.load %arg1[%get3A_30, %get3A_31, %get3A_32] : memref<12x1024x64xf32, #tpu.memory_space<vmem>>, vector<1x1024x64xf32>
    %get3A_34 = vector.shape_cast %get3A_33 : vector<1x1024x64xf32> to vector<1024x64xf32>
    %get3A_35 = arith.constant 0 : index
    %get3A_36 = arith.constant 0 : index
    %get3A_37 = vector.load %arg2[%get3A_35, %get3A_36] : memref<64x64xf32, #tpu.memory_space<vmem>>, vector<64x64xf32>
    %dot_general3A_38 = arith.constant dense<0.000000e+00> : vector<1024x64xf32>
    %dot_general3A_39 = tpu.matmul %get3A_34, %get3A_37, %dot_general3A_38 {dimension_numbers = #tpu.dot_dimension_numbers<[1], [0], [0], [1], [0, 0, 1, 1], [], []>, transpose_lhs_hint = false} : vector<1024x64xf32>, vector<64x64xf32>, vector<1024x64xf32> -> vector<1024x64xf32>
    %convert_element_type3A_40 = arith.truncf %dot_general3A_39 : vector<1024x64xf32> to vector<1024x64xbf16>
    %swap3A_41 = arith.constant 2 : index
    %swap3A_42 = arith.constant 0 : index
    %swap3A_43 = arith.constant 0 : index
    %swap3A_44 = vector.load %arg3[%swap3A_41, %swap3A_42, %swap3A_43] : memref<12x1024x64xbf16, #tpu.memory_space<vmem>>, vector<1x1024x64xbf16>
    %swap3A_45 = vector.shape_cast %swap3A_44 : vector<1x1024x64xbf16> to vector<1024x64xbf16>
    %swap3A_46 = vector.shape_cast %convert_element_type3A_40 : vector<1024x64xbf16> to vector<1x1024x64xbf16>
    tpu.vector_store %arg3[%swap3A_41, %swap3A_42, %swap3A_43], %swap3A_46 {strides = array<i32>} : memref<12x1024x64xbf16, #tpu.memory_space<vmem>>, vector<1x1024x64xbf16>,
    %get3A_47 = arith.constant 3 : index
    %get3A_48 = arith.constant 0 : index
    %get3A_49 = arith.constant 0 : index
    %get3A_50 = vector.load %arg1[%get3A_47, %get3A_48, %get3A_49] : memref<12x1024x64xf32, #tpu.memory_space<vmem>>, vector<1x1024x64xf32>
    %get3A_51 = vector.shape_cast %get3A_50 : vector<1x1024x64xf32> to vector<1024x64xf32>
    %get3A_52 = arith.constant 0 : index
    %get3A_53 = arith.constant 0 : index
    %get3A_54 = vector.load %arg2[%get3A_52, %get3A_53] : memref<64x64xf32, #tpu.memory_space<vmem>>, vector<64x64xf32>
    %dot_general3A_55 = arith.constant dense<0.000000e+00> : vector<1024x64xf32>
    %dot_general3A_56 = tpu.matmul %get3A_51, %get3A_54, %dot_general3A_55 {dimension_numbers = #tpu.dot_dimension_numbers<[1], [0], [0], [1], [0, 0, 1, 1], [], []>, transpose_lhs_hint = false} : vector<1024x64xf32>, vector<64x64xf32>, vector<1024x64xf32> -> vector<1024x64xf32>
    %convert_element_type3A_57 = arith.truncf %dot_general3A_56 : vector<1024x64xf32> to vector<1024x64xbf16>
    %swap3A_58 = arith.constant 3 : index
    %swap3A_59 = arith.constant 0 : index
    %swap3A_60 = arith.constant 0 : index
    %swap3A_61 = vector.load %arg3[%swap3A_58, %swap3A_59, %swap3A_60] : memref<12x1024x64xbf16, #tpu.memory_space<vmem>>, vector<1x1024x64xbf16>
    %swap3A_62 = vector.shape_cast %swap3A_61 : vector<1x1024x64xbf16> to vector<1024x64xbf16>
    %swap3A_63 = vector.shape_cast %convert_element_type3A_57 : vector<1024x64xbf16> to vector<1x1024x64xbf16>
    tpu.vector_store %arg3[%swap3A_58, %swap3A_59, %swap3A_60], %swap3A_63 {strides = array<i32>} : memref<12x1024x64xbf16, #tpu.memory_space<vmem>>, vector<1x1024x64xbf16>,
    %get3A_64 = arith.constant 4 : index
    %get3A_65 = arith.constant 0 : index
    %get3A_66 = arith.constant 0 : index
    %get3A_67 = vector.load %arg1[%get3A_64, %get3A_65, %get3A_66] : memref<12x1024x64xf32, #tpu.memory_space<vmem>>, vector<1x1024x64xf32>
    %get3A_68 = vector.shape_cast %get3A_67 : vector<1x1024x64xf32> to vector<1024x64xf32>
    %get3A_69 = arith.constant 0 : index
    %get3A_70 = arith.constant 0 : index
    %get3A_71 = vector.load %arg2[%get3A_69, %get3A_70] : memref<64x64xf32, #tpu.memory_space<vmem>>, vector<64x64xf32>
    %dot_general3A_72 = arith.constant dense<0.000000e+00> : vector<1024x64xf32>
    %dot_general3A_73 = tpu.matmul %get3A_68, %get3A_71, %dot_general3A_72 {dimension_numbers = #tpu.dot_dimension_numbers<[1], [0], [0], [1], [0, 0, 1, 1], [], []>, transpose_lhs_hint = false} : vector<1024x64xf32>, vector<64x64xf32>, vector<1024x64xf32> -> vector<1024x64xf32>
    %convert_element_type3A_74 = arith.truncf %dot_general3A_73 : vector<1024x64xf32> to vector<1024x64xbf16>
    %swap3A_75 = arith.constant 4 : index
    %swap3A_76 = arith.constant 0 : index
    %swap3A_77 = arith.constant 0 : index
    %swap3A_78 = vector.load %arg3[%swap3A_75, %swap3A_76, %swap3A_77] : memref<12x1024x64xbf16, #tpu.memory_space<vmem>>, vector<1x1024x64xbf16>
    %swap3A_79 = vector.shape_cast %swap3A_78 : vector<1x1024x64xbf16> to vector<1024x64xbf16>
    %swap3A_80 = vector.shape_cast %convert_element_type3A_74 : vector<1024x64xbf16> to vector<1x1024x64xbf16>
    tpu.vector_store %arg3[%swap3A_75, %swap3A_76, %swap3A_77], %swap3A_80 {strides = array<i32>} : memref<12x1024x64xbf16, #tpu.memory_space<vmem>>, vector<1x1024x64xbf16>,
    %get3A_81 = arith.constant 5 : index
    %get3A_82 = arith.constant 0 : index
    %get3A_83 = arith.constant 0 : index
    %get3A_84 = vector.load %arg1[%get3A_81, %get3A_82, %get3A_83] : memref<12x1024x64xf32, #tpu.memory_space<vmem>>, vector<1x1024x64xf32>
    %get3A_85 = vector.shape_cast %get3A_84 : vector<1x1024x64xf32> to vector<1024x64xf32>
    %get3A_86 = arith.constant 0 : index
    %get3A_87 = arith.constant 0 : index
    %get3A_88 = vector.load %arg2[%get3A_86, %get3A_87] : memref<64x64xf32, #tpu.memory_space<vmem>>, vector<64x64xf32>
    %dot_general3A_89 = arith.constant dense<0.000000e+00> : vector<1024x64xf32>
    %dot_general3A_90 = tpu.matmul %get3A_85, %get3A_88, %dot_general3A_89 {dimension_numbers = #tpu.dot_dimension_numbers<[1], [0], [0], [1], [0, 0, 1, 1], [], []>, transpose_lhs_hint = false} : vector<1024x64xf32>, vector<64x64xf32>, vector<1024x64xf32> -> vector<1024x64xf32>
    %convert_element_type3A_91 = arith.truncf %dot_general3A_90 : vector<1024x64xf32> to vector<1024x64xbf16>
    %swap3A_92 = arith.constant 5 : index
    %swap3A_93 = arith.constant 0 : index
    %swap3A_94 = arith.constant 0 : index
    %swap3A_95 = vector.load %arg3[%swap3A_92, %swap3A_93, %swap3A_94] : memref<12x1024x64xbf16, #tpu.memory_space<vmem>>, vector<1x1024x64xbf16>
    %swap3A_96 = vector.shape_cast %swap3A_95 : vector<1x1024x64xbf16> to vector<1024x64xbf16>
    %swap3A_97 = vector.shape_cast %convert_element_type3A_91 : vector<1024x64xbf16> to vector<1x1024x64xbf16>
    tpu.vector_store %arg3[%swap3A_92, %swap3A_93, %swap3A_94], %swap3A_97 {strides = array<i32>} : memref<12x1024x64xbf16, #tpu.memory_space<vmem>>, vector<1x1024x64xbf16>,
    %get3A_98 = arith.constant 6 : index
    %get3A_99 = arith.constant 0 : index
    %get3A_100 = arith.constant 0 : index
    %get3A_101 = vector.load %arg1[%get3A_98, %get3A_99, %get3A_100] : memref<12x1024x64xf32, #tpu.memory_space<vmem>>, vector<1x1024x64xf32>
    %get3A_102 = vector.shape_cast %get3A_101 : vector<1x1024x64xf32> to vector<1024x64xf32>
    %get3A_103 = arith.constant 0 : index
    %get3A_104 = arith.constant 0 : index
    %get3A_105 = vector.load %arg2[%get3A_103, %get3A_104] : memref<64x64xf32, #tpu.memory_space<vmem>>, vector<64x64xf32>
    %dot_general3A_106 = arith.constant dense<0.000000e+00> : vector<1024x64xf32>
    %dot_general3A_107 = tpu.matmul %get3A_102, %get3A_105, %dot_general3A_106 {dimension_numbers = #tpu.dot_dimension_numbers<[1], [0], [0], [1], [0, 0, 1, 1], [], []>, transpose_lhs_hint = false} : vector<1024x64xf32>, vector<64x64xf32>, vector<1024x64xf32> -> vector<1024x64xf32>
    %convert_element_type3A_108 = arith.truncf %dot_general3A_107 : vector<1024x64xf32> to vector<1024x64xbf16>
    %swap3A_109 = arith.constant 6 : index
    %swap3A_110 = arith.constant 0 : index
    %swap3A_111 = arith.constant 0 : index
    %swap3A_112 = vector.load %arg3[%swap3A_109, %swap3A_110, %swap3A_111] : memref<12x1024x64xbf16, #tpu.memory_space<vmem>>, vector<1x1024x64xbf16>
    %swap3A_113 = vector.shape_cast %swap3A_112 : vector<1x1024x64xbf16> to vector<1024x64xbf16>
    %swap3A_114 = vector.shape_cast %convert_element_type3A_108 : vector<1024x64xbf16> to vector<1x1024x64xbf16>
    tpu.vector_store %arg3[%swap3A_109, %swap3A_110, %swap3A_111], %swap3A_114 {strides = array<i32>} : memref<12x1024x64xbf16, #tpu.memory_space<vmem>>, vector<1x1024x64xbf16>,
    %get3A_115 = arith.constant 7 : index
    %get3A_116 = arith.constant 0 : index
    %get3A_117 = arith.constant 0 : index
    %get3A_118 = vector.load %arg1[%get3A_115, %get3A_116, %get3A_117] : memref<12x1024x64xf32, #tpu.memory_space<vmem>>, vector<1x1024x64xf32>
    %get3A_119 = vector.shape_cast %get3A_118 : vector<1x1024x64xf32> to vector<1024x64xf32>
    %get3A_120 = arith.constant 0 : index
    %get3A_121 = arith.constant 0 : index
    %get3A_122 = vector.load %arg2[%get3A_120, %get3A_121] : memref<64x64xf32, #tpu.memory_space<vmem>>, vector<64x64xf32>
    %dot_general3A_123 = arith.constant dense<0.000000e+00> : vector<1024x64xf32>
    %dot_general3A_124 = tpu.matmul %get3A_119, %get3A_122, %dot_general3A_123 {dimension_numbers = #tpu.dot_dimension_numbers<[1], [0], [0], [1], [0, 0, 1, 1], [], []>, transpose_lhs_hint = false} : vector<1024x64xf32>, vector<64x64xf32>, vector<1024x64xf32> -> vector<1024x64xf32>
    %convert_element_type3A_125 = arith.truncf %dot_general3A_124 : vector<1024x64xf32> to vector<1024x64xbf16>
    %swap3A_126 = arith.constant 7 : index
    %swap3A_127 = arith.constant 0 : index
    %swap3A_128 = arith.constant 0 : index
    %swap3A_129 = vector.load %arg3[%swap3A_126, %swap3A_127, %swap3A_128] : memref<12x1024x64xbf16, #tpu.memory_space<vmem>>, vector<1x1024x64xbf16>
    %swap3A_130 = vector.shape_cast %swap3A_129 : vector<1x1024x64xbf16> to vector<1024x64xbf16>
    %swap3A_131 = vector.shape_cast %convert_element_type3A_125 : vector<1024x64xbf16> to vector<1x1024x64xbf16>
    tpu.vector_store %arg3[%swap3A_126, %swap3A_127, %swap3A_128], %swap3A_131 {strides = array<i32>} : memref<12x1024x64xbf16, #tpu.memory_space<vmem>>, vector<1x1024x64xbf16>,
    %get3A_132 = arith.constant 8 : index
    %get3A_133 = arith.constant 0 : index
    %get3A_134 = arith.constant 0 : index
    %get3A_135 = vector.load %arg1[%get3A_132, %get3A_133, %get3A_134] : memref<12x1024x64xf32, #tpu.memory_space<vmem>>, vector<1x1024x64xf32>
    %get3A_136 = vector.shape_cast %get3A_135 : vector<1x1024x64xf32> to vector<1024x64xf32>
    %get3A_137 = arith.constant 0 : index
    %get3A_138 = arith.constant 0 : index
    %get3A_139 = vector.load %arg2[%get3A_137, %get3A_138] : memref<64x64xf32, #tpu.memory_space<vmem>>, vector<64x64xf32>
    %dot_general3A_140 = arith.constant dense<0.000000e+00> : vector<1024x64xf32>
    %dot_general3A_141 = tpu.matmul %get3A_136, %get3A_139, %dot_general3A_140 {dimension_numbers = #tpu.dot_dimension_numbers<[1], [0], [0], [1], [0, 0, 1, 1], [], []>, transpose_lhs_hint = false} : vector<1024x64xf32>, vector<64x64xf32>, vector<1024x64xf32> -> vector<1024x64xf32>
    %convert_element_type3A_142 = arith.truncf %dot_general3A_141 : vector<1024x64xf32> to vector<1024x64xbf16>
    %swap3A_143 = arith.constant 8 : index
    %swap3A_144 = arith.constant 0 : index
    %swap3A_145 = arith.constant 0 : index
    %swap3A_146 = vector.load %arg3[%swap3A_143, %swap3A_144, %swap3A_145] : memref<12x1024x64xbf16, #tpu.memory_space<vmem>>, vector<1x1024x64xbf16>
    %swap3A_147 = vector.shape_cast %swap3A_146 : vector<1x1024x64xbf16> to vector<1024x64xbf16>
    %swap3A_148 = vector.shape_cast %convert_element_type3A_142 : vector<1024x64xbf16> to vector<1x1024x64xbf16>
    tpu.vector_store %arg3[%swap3A_143, %swap3A_144, %swap3A_145], %swap3A_148 {strides = array<i32>} : memref<12x1024x64xbf16, #tpu.memory_space<vmem>>, vector<1x1024x64xbf16>,
    %get3A_149 = arith.constant 9 : index
    %get3A_150 = arith.constant 0 : index
    %get3A_151 = arith.constant 0 : index
    %get3A_152 = vector.load %arg1[%get3A_149, %get3A_150, %get3A_151] : memref<12x1024x64xf32, #tpu.memory_space<vmem>>, vector<1x1024x64xf32>
    %get3A_153 = vector.shape_cast %get3A_152 : vector<1x1024x64xf32> to vector<1024x64xf32>
    %get3A_154 = arith.constant 0 : index
    %get3A_155 = arith.constant 0 : index
    %get3A_156 = vector.load %arg2[%get3A_154, %get3A_155] : memref<64x64xf32, #tpu.memory_space<vmem>>, vector<64x64xf32>
    %dot_general3A_157 = arith.constant dense<0.000000e+00> : vector<1024x64xf32>
    %dot_general3A_158 = tpu.matmul %get3A_153, %get3A_156, %dot_general3A_157 {dimension_numbers = #tpu.dot_dimension_numbers<[1], [0], [0], [1], [0, 0, 1, 1], [], []>, transpose_lhs_hint = false} : vector<1024x64xf32>, vector<64x64xf32>, vector<1024x64xf32> -> vector<1024x64xf32>
    %convert_element_type3A_159 = arith.truncf %dot_general3A_158 : vector<1024x64xf32> to vector<1024x64xbf16>
    %swap3A_160 = arith.constant 9 : index
    %swap3A_161 = arith.constant 0 : index
    %swap3A_162 = arith.constant 0 : index
    %swap3A_163 = vector.load %arg3[%swap3A_160, %swap3A_161, %swap3A_162] : memref<12x1024x64xbf16, #tpu.memory_space<vmem>>, vector<1x1024x64xbf16>
    %swap3A_164 = vector.shape_cast %swap3A_163 : vector<1x1024x64xbf16> to vector<1024x64xbf16>
    %swap3A_165 = vector.shape_cast %convert_element_type3A_159 : vector<1024x64xbf16> to vector<1x1024x64xbf16>
    tpu.vector_store %arg3[%swap3A_160, %swap3A_161, %swap3A_162], %swap3A_165 {strides = array<i32>} : memref<12x1024x64xbf16, #tpu.memory_space<vmem>>, vector<1x1024x64xbf16>,
    %get3A_166 = arith.constant 10 : index
    %get3A_167 = arith.constant 0 : index
    %get3A_168 = arith.constant 0 : index
    %get3A_169 = vector.load %arg1[%get3A_166, %get3A_167, %get3A_168] : memref<12x1024x64xf32, #tpu.memory_space<vmem>>, vector<1x1024x64xf32>
    %get3A_170 = vector.shape_cast %get3A_169 : vector<1x1024x64xf32> to vector<1024x64xf32>
    %get3A_171 = arith.constant 0 : index
    %get3A_172 = arith.constant 0 : index
    %get3A_173 = vector.load %arg2[%get3A_171, %get3A_172] : memref<64x64xf32, #tpu.memory_space<vmem>>, vector<64x64xf32>
    %dot_general3A_174 = arith.constant dense<0.000000e+00> : vector<1024x64xf32>
    %dot_general3A_175 = tpu.matmul %get3A_170, %get3A_173, %dot_general3A_174 {dimension_numbers = #tpu.dot_dimension_numbers<[1], [0], [0], [1], [0, 0, 1, 1], [], []>, transpose_lhs_hint = false} : vector<1024x64xf32>, vector<64x64xf32>, vector<1024x64xf32> -> vector<1024x64xf32>
    %convert_element_type3A_176 = arith.truncf %dot_general3A_175 : vector<1024x64xf32> to vector<1024x64xbf16>
    %swap3A_177 = arith.constant 10 : index
    %swap3A_178 = arith.constant 0 : index
    %swap3A_179 = arith.constant 0 : index
    %swap3A_180 = vector.load %arg3[%swap3A_177, %swap3A_178, %swap3A_179] : memref<12x1024x64xbf16, #tpu.memory_space<vmem>>, vector<1x1024x64xbf16>
    %swap3A_181 = vector.shape_cast %swap3A_180 : vector<1x1024x64xbf16> to vector<1024x64xbf16>
    %swap3A_182 = vector.shape_cast %convert_element_type3A_176 : vector<1024x64xbf16> to vector<1x1024x64xbf16>
    tpu.vector_store %arg3[%swap3A_177, %swap3A_178, %swap3A_179], %swap3A_182 {strides = array<i32>} : memref<12x1024x64xbf16, #tpu.memory_space<vmem>>, vector<1x1024x64xbf16>,
    %get3A_183 = arith.constant 11 : index
    %get3A_184 = arith.constant 0 : index
    %get3A_185 = arith.constant 0 : index
    %get3A_186 = vector.load %arg1[%get3A_183, %get3A_184, %get3A_185] : memref<12x1024x64xf32, #tpu.memory_space<vmem>>, vector<1x1024x64xf32>
    %get3A_187 = vector.shape_cast %get3A_186 : vector<1x1024x64xf32> to vector<1024x64xf32>
    %get3A_188 = arith.constant 0 : index
    %get3A_189 = arith.constant 0 : index
    %get3A_190 = vector.load %arg2[%get3A_188, %get3A_189] : memref<64x64xf32, #tpu.memory_space<vmem>>, vector<64x64xf32>
    %dot_general3A_191 = arith.constant dense<0.000000e+00> : vector<1024x64xf32>
    %dot_general3A_192 = tpu.matmul %get3A_187, %get3A_190, %dot_general3A_191 {dimension_numbers = #tpu.dot_dimension_numbers<[1], [0], [0], [1], [0, 0, 1, 1], [], []>, transpose_lhs_hint = false} : vector<1024x64xf32>, vector<64x64xf32>, vector<1024x64xf32> -> vector<1024x64xf32>
    %convert_element_type3A_193 = arith.truncf %dot_general3A_192 : vector<1024x64xf32> to vector<1024x64xbf16>
    %swap3A_194 = arith.constant 11 : index
    %swap3A_195 = arith.constant 0 : index
    %swap3A_196 = arith.constant 0 : index
    %swap3A_197 = vector.load %arg3[%swap3A_194, %swap3A_195, %swap3A_196] : memref<12x1024x64xbf16, #tpu.memory_space<vmem>>, vector<1x1024x64xbf16>
    %swap3A_198 = vector.shape_cast %swap3A_197 : vector<1x1024x64xbf16> to vector<1024x64xbf16>
    %swap3A_199 = vector.shape_cast %convert_element_type3A_193 : vector<1024x64xbf16> to vector<1x1024x64xbf16>
    tpu.vector_store %arg3[%swap3A_194, %swap3A_195, %swap3A_196], %swap3A_199 {strides = array<i32>} : memref<12x1024x64xbf16, #tpu.memory_space<vmem>>, vector<1x1024x64xbf16>,
    return
  }
  func.func @transform_0(%arg0: i32) -> (i32, i32, i32) {
    %c0_i32 = arith.constant 0 : i32
    %c0_i32_0 = arith.constant 0 : i32
    %c0_i32_1 = arith.constant 0 : i32
    return %arg0, %c0_i32, %c0_i32_0 : i32, i32, i32
  }
  func.func @transform_1(%arg0: i32) -> (i32, i32) {
    %c0_i32 = arith.constant 0 : i32
    %c0_i32_0 = arith.constant 0 : i32
    %c0_i32_1 = arith.constant 0 : i32
    return %c0_i32, %c0_i32_0 : i32, i32
  }
  func.func @transform_2(%arg0: i32) -> (i32, i32, i32) {
    %c0_i32 = arith.constant 0 : i32
    %c0_i32_0 = arith.constant 0 : i32
    %c0_i32_1 = arith.constant 0 : i32
    return %arg0, %c0_i32, %c0_i32_0 : i32, i32, i32
  }
}

module attributes {stable_mosaic.version = 14 : i64} {
  func.func @body(%arg0: i32, %arg1: memref<12x1024x64xbf16, #tpu.memory_space<vmem>>, %arg2: memref<8x1024x128xf32, #tpu.memory_space<vmem>>, %arg3: memref<12x1024x64xf32, #tpu.memory_space<vmem>>, %arg4: memref<1024x1024xbf16, #tpu.memory_space<vmem>>) attributes {dimension_semantics = [#tpu.dimension_semantics<arbitrary>], iteration_bounds = array<i64: 4>, scalar_prefetch = 0 : i64, scratch_operands = 1 : i64, tpu.core_type = #tpu.core_type<tc>, window_params = [{transform_indices = @transform_0, window_bounds = array<i64: 12, 1024, 64>}, {pipeline_mode = #tpu.pipeline_mode<synchronous>, transform_indices = @transform_1, window_bounds = array<i64: 8, 1024, 128>}, {transform_indices = @transform_2, window_bounds = array<i64: 12, 1024, 64>}]} {
    %eq3A = arith.constant 0 : i32
    %eq3A_0 = arith.cmpi eq, %arg0, %eq3A : i32
    %convert_element_type3A = arith.extui %eq3A_0 : i1 to i32
    %cond3A = arith.constant 0 : i32
    %cond3A_1 = arith.cmpi ne, %convert_element_type3A, %cond3A : i32
    scf.if %cond3A_1 {
      %get3A_147 = arith.constant 0 : index
      %get3A_148 = arith.constant 0 : index
      %get3A_149 = arith.constant 0 : index
      %get3A_150 = vector.load %arg2[%get3A_147, %get3A_148, %get3A_149] : memref<8x1024x128xf32, #tpu.memory_space<vmem>>, vector<1x1024x128xf32>
      %get3A_151 = vector.shape_cast %get3A_150 : vector<1x1024x128xf32> to vector<1024x128xf32>
      %convert_element_type3A_152 = arith.truncf %get3A_151 : vector<1024x128xf32> to vector<1024x128xbf16>
      %swap3A_153 = arith.constant 0 : index
      %swap3A_154 = arith.constant 0 : index
      %swap3A_155 = vector.load %arg4[%swap3A_153, %swap3A_154] : memref<1024x1024xbf16, #tpu.memory_space<vmem>>, vector<1024x128xbf16>
      tpu.vector_store %arg4[%swap3A_153, %swap3A_154], %convert_element_type3A_152 {strides = array<i32>} : memref<1024x1024xbf16, #tpu.memory_space<vmem>>, vector<1024x128xbf16>,
      %get3A_156 = arith.constant 1 : index
      %get3A_157 = arith.constant 0 : index
      %get3A_158 = arith.constant 0 : index
      %get3A_159 = vector.load %arg2[%get3A_156, %get3A_157, %get3A_158] : memref<8x1024x128xf32, #tpu.memory_space<vmem>>, vector<1x1024x128xf32>
      %get3A_160 = vector.shape_cast %get3A_159 : vector<1x1024x128xf32> to vector<1024x128xf32>
      %convert_element_type3A_161 = arith.truncf %get3A_160 : vector<1024x128xf32> to vector<1024x128xbf16>
      %swap3A_162 = arith.constant 0 : index
      %swap3A_163 = arith.constant 128 : index
      %swap3A_164 = vector.load %arg4[%swap3A_162, %swap3A_163] : memref<1024x1024xbf16, #tpu.memory_space<vmem>>, vector<1024x128xbf16>
      tpu.vector_store %arg4[%swap3A_162, %swap3A_163], %convert_element_type3A_161 {strides = array<i32>} : memref<1024x1024xbf16, #tpu.memory_space<vmem>>, vector<1024x128xbf16>,
      %get3A_165 = arith.constant 2 : index
      %get3A_166 = arith.constant 0 : index
      %get3A_167 = arith.constant 0 : index
      %get3A_168 = vector.load %arg2[%get3A_165, %get3A_166, %get3A_167] : memref<8x1024x128xf32, #tpu.memory_space<vmem>>, vector<1x1024x128xf32>
      %get3A_169 = vector.shape_cast %get3A_168 : vector<1x1024x128xf32> to vector<1024x128xf32>
      %convert_element_type3A_170 = arith.truncf %get3A_169 : vector<1024x128xf32> to vector<1024x128xbf16>
      %swap3A_171 = arith.constant 0 : index
      %swap3A_172 = arith.constant 256 : index
      %swap3A_173 = vector.load %arg4[%swap3A_171, %swap3A_172] : memref<1024x1024xbf16, #tpu.memory_space<vmem>>, vector<1024x128xbf16>
      tpu.vector_store %arg4[%swap3A_171, %swap3A_172], %convert_element_type3A_170 {strides = array<i32>} : memref<1024x1024xbf16, #tpu.memory_space<vmem>>, vector<1024x128xbf16>,
      %get3A_174 = arith.constant 3 : index
      %get3A_175 = arith.constant 0 : index
      %get3A_176 = arith.constant 0 : index
      %get3A_177 = vector.load %arg2[%get3A_174, %get3A_175, %get3A_176] : memref<8x1024x128xf32, #tpu.memory_space<vmem>>, vector<1x1024x128xf32>
      %get3A_178 = vector.shape_cast %get3A_177 : vector<1x1024x128xf32> to vector<1024x128xf32>
      %convert_element_type3A_179 = arith.truncf %get3A_178 : vector<1024x128xf32> to vector<1024x128xbf16>
      %swap3A_180 = arith.constant 0 : index
      %swap3A_181 = arith.constant 384 : index
      %swap3A_182 = vector.load %arg4[%swap3A_180, %swap3A_181] : memref<1024x1024xbf16, #tpu.memory_space<vmem>>, vector<1024x128xbf16>
      tpu.vector_store %arg4[%swap3A_180, %swap3A_181], %convert_element_type3A_179 {strides = array<i32>} : memref<1024x1024xbf16, #tpu.memory_space<vmem>>, vector<1024x128xbf16>,
      %get3A_183 = arith.constant 4 : index
      %get3A_184 = arith.constant 0 : index
      %get3A_185 = arith.constant 0 : index
      %get3A_186 = vector.load %arg2[%get3A_183, %get3A_184, %get3A_185] : memref<8x1024x128xf32, #tpu.memory_space<vmem>>, vector<1x1024x128xf32>
      %get3A_187 = vector.shape_cast %get3A_186 : vector<1x1024x128xf32> to vector<1024x128xf32>
      %convert_element_type3A_188 = arith.truncf %get3A_187 : vector<1024x128xf32> to vector<1024x128xbf16>
      %swap3A_189 = arith.constant 0 : index
      %swap3A_190 = arith.constant 512 : index
      %swap3A_191 = vector.load %arg4[%swap3A_189, %swap3A_190] : memref<1024x1024xbf16, #tpu.memory_space<vmem>>, vector<1024x128xbf16>
      tpu.vector_store %arg4[%swap3A_189, %swap3A_190], %convert_element_type3A_188 {strides = array<i32>} : memref<1024x1024xbf16, #tpu.memory_space<vmem>>, vector<1024x128xbf16>,
      %get3A_192 = arith.constant 5 : index
      %get3A_193 = arith.constant 0 : index
      %get3A_194 = arith.constant 0 : index
      %get3A_195 = vector.load %arg2[%get3A_192, %get3A_193, %get3A_194] : memref<8x1024x128xf32, #tpu.memory_space<vmem>>, vector<1x1024x128xf32>
      %get3A_196 = vector.shape_cast %get3A_195 : vector<1x1024x128xf32> to vector<1024x128xf32>
      %convert_element_type3A_197 = arith.truncf %get3A_196 : vector<1024x128xf32> to vector<1024x128xbf16>
      %swap3A_198 = arith.constant 0 : index
      %swap3A_199 = arith.constant 640 : index
      %swap3A_200 = vector.load %arg4[%swap3A_198, %swap3A_199] : memref<1024x1024xbf16, #tpu.memory_space<vmem>>, vector<1024x128xbf16>
      tpu.vector_store %arg4[%swap3A_198, %swap3A_199], %convert_element_type3A_197 {strides = array<i32>} : memref<1024x1024xbf16, #tpu.memory_space<vmem>>, vector<1024x128xbf16>,
      %get3A_201 = arith.constant 6 : index
      %get3A_202 = arith.constant 0 : index
      %get3A_203 = arith.constant 0 : index
      %get3A_204 = vector.load %arg2[%get3A_201, %get3A_202, %get3A_203] : memref<8x1024x128xf32, #tpu.memory_space<vmem>>, vector<1x1024x128xf32>
      %get3A_205 = vector.shape_cast %get3A_204 : vector<1x1024x128xf32> to vector<1024x128xf32>
      %convert_element_type3A_206 = arith.truncf %get3A_205 : vector<1024x128xf32> to vector<1024x128xbf16>
      %swap3A_207 = arith.constant 0 : index
      %swap3A_208 = arith.constant 768 : index
      %swap3A_209 = vector.load %arg4[%swap3A_207, %swap3A_208] : memref<1024x1024xbf16, #tpu.memory_space<vmem>>, vector<1024x128xbf16>
      tpu.vector_store %arg4[%swap3A_207, %swap3A_208], %convert_element_type3A_206 {strides = array<i32>} : memref<1024x1024xbf16, #tpu.memory_space<vmem>>, vector<1024x128xbf16>,
      %get3A_210 = arith.constant 7 : index
      %get3A_211 = arith.constant 0 : index
      %get3A_212 = arith.constant 0 : index
      %get3A_213 = vector.load %arg2[%get3A_210, %get3A_211, %get3A_212] : memref<8x1024x128xf32, #tpu.memory_space<vmem>>, vector<1x1024x128xf32>
      %get3A_214 = vector.shape_cast %get3A_213 : vector<1x1024x128xf32> to vector<1024x128xf32>
      %convert_element_type3A_215 = arith.truncf %get3A_214 : vector<1024x128xf32> to vector<1024x128xbf16>
      %swap3A_216 = arith.constant 0 : index
      %swap3A_217 = arith.constant 896 : index
      %swap3A_218 = vector.load %arg4[%swap3A_216, %swap3A_217] : memref<1024x1024xbf16, #tpu.memory_space<vmem>>, vector<1024x128xbf16>
      tpu.vector_store %arg4[%swap3A_216, %swap3A_217], %convert_element_type3A_215 {strides = array<i32>} : memref<1024x1024xbf16, #tpu.memory_space<vmem>>, vector<1024x128xbf16>,
    } else {
    }
    %get3A = arith.constant 0 : index
    %get3A_2 = arith.constant 0 : index
    %get3A_3 = arith.constant 0 : index
    %get3A_4 = vector.load %arg1[%get3A, %get3A_2, %get3A_3] : memref<12x1024x64xbf16, #tpu.memory_space<vmem>>, vector<1x1024x64xbf16>
    %get3A_5 = vector.shape_cast %get3A_4 : vector<1x1024x64xbf16> to vector<1024x64xbf16>
    %get3A_6 = arith.constant 1 : index
    %get3A_7 = arith.constant 0 : index
    %get3A_8 = arith.constant 0 : index
    %get3A_9 = vector.load %arg1[%get3A_6, %get3A_7, %get3A_8] : memref<12x1024x64xbf16, #tpu.memory_space<vmem>>, vector<1x1024x64xbf16>
    %get3A_10 = vector.shape_cast %get3A_9 : vector<1x1024x64xbf16> to vector<1024x64xbf16>
    %get3A_11 = arith.constant 2 : index
    %get3A_12 = arith.constant 0 : index
    %get3A_13 = arith.constant 0 : index
    %get3A_14 = vector.load %arg1[%get3A_11, %get3A_12, %get3A_13] : memref<12x1024x64xbf16, #tpu.memory_space<vmem>>, vector<1x1024x64xbf16>
    %get3A_15 = vector.shape_cast %get3A_14 : vector<1x1024x64xbf16> to vector<1024x64xbf16>
    %get3A_16 = arith.constant 3 : index
    %get3A_17 = arith.constant 0 : index
    %get3A_18 = arith.constant 0 : index
    %get3A_19 = vector.load %arg1[%get3A_16, %get3A_17, %get3A_18] : memref<12x1024x64xbf16, #tpu.memory_space<vmem>>, vector<1x1024x64xbf16>
    %get3A_20 = vector.shape_cast %get3A_19 : vector<1x1024x64xbf16> to vector<1024x64xbf16>
    %get3A_21 = arith.constant 4 : index
    %get3A_22 = arith.constant 0 : index
    %get3A_23 = arith.constant 0 : index
    %get3A_24 = vector.load %arg1[%get3A_21, %get3A_22, %get3A_23] : memref<12x1024x64xbf16, #tpu.memory_space<vmem>>, vector<1x1024x64xbf16>
    %get3A_25 = vector.shape_cast %get3A_24 : vector<1x1024x64xbf16> to vector<1024x64xbf16>
    %get3A_26 = arith.constant 5 : index
    %get3A_27 = arith.constant 0 : index
    %get3A_28 = arith.constant 0 : index
    %get3A_29 = vector.load %arg1[%get3A_26, %get3A_27, %get3A_28] : memref<12x1024x64xbf16, #tpu.memory_space<vmem>>, vector<1x1024x64xbf16>
    %get3A_30 = vector.shape_cast %get3A_29 : vector<1x1024x64xbf16> to vector<1024x64xbf16>
    %get3A_31 = arith.constant 6 : index
    %get3A_32 = arith.constant 0 : index
    %get3A_33 = arith.constant 0 : index
    %get3A_34 = vector.load %arg1[%get3A_31, %get3A_32, %get3A_33] : memref<12x1024x64xbf16, #tpu.memory_space<vmem>>, vector<1x1024x64xbf16>
    %get3A_35 = vector.shape_cast %get3A_34 : vector<1x1024x64xbf16> to vector<1024x64xbf16>
    %get3A_36 = arith.constant 7 : index
    %get3A_37 = arith.constant 0 : index
    %get3A_38 = arith.constant 0 : index
    %get3A_39 = vector.load %arg1[%get3A_36, %get3A_37, %get3A_38] : memref<12x1024x64xbf16, #tpu.memory_space<vmem>>, vector<1x1024x64xbf16>
    %get3A_40 = vector.shape_cast %get3A_39 : vector<1x1024x64xbf16> to vector<1024x64xbf16>
    %get3A_41 = arith.constant 8 : index
    %get3A_42 = arith.constant 0 : index
    %get3A_43 = arith.constant 0 : index
    %get3A_44 = vector.load %arg1[%get3A_41, %get3A_42, %get3A_43] : memref<12x1024x64xbf16, #tpu.memory_space<vmem>>, vector<1x1024x64xbf16>
    %get3A_45 = vector.shape_cast %get3A_44 : vector<1x1024x64xbf16> to vector<1024x64xbf16>
    %get3A_46 = arith.constant 9 : index
    %get3A_47 = arith.constant 0 : index
    %get3A_48 = arith.constant 0 : index
    %get3A_49 = vector.load %arg1[%get3A_46, %get3A_47, %get3A_48] : memref<12x1024x64xbf16, #tpu.memory_space<vmem>>, vector<1x1024x64xbf16>
    %get3A_50 = vector.shape_cast %get3A_49 : vector<1x1024x64xbf16> to vector<1024x64xbf16>
    %get3A_51 = arith.constant 10 : index
    %get3A_52 = arith.constant 0 : index
    %get3A_53 = arith.constant 0 : index
    %get3A_54 = vector.load %arg1[%get3A_51, %get3A_52, %get3A_53] : memref<12x1024x64xbf16, #tpu.memory_space<vmem>>, vector<1x1024x64xbf16>
    %get3A_55 = vector.shape_cast %get3A_54 : vector<1x1024x64xbf16> to vector<1024x64xbf16>
    %get3A_56 = arith.constant 11 : index
    %get3A_57 = arith.constant 0 : index
    %get3A_58 = arith.constant 0 : index
    %get3A_59 = vector.load %arg1[%get3A_56, %get3A_57, %get3A_58] : memref<12x1024x64xbf16, #tpu.memory_space<vmem>>, vector<1x1024x64xbf16>
    %get3A_60 = vector.shape_cast %get3A_59 : vector<1x1024x64xbf16> to vector<1024x64xbf16>
    %concatenate3A = tpu.concatenate %get3A_5, %get3A_10, %get3A_15, %get3A_20, %get3A_25, %get3A_30, %get3A_35, %get3A_40, %get3A_45, %get3A_50, %get3A_55, %get3A_60 in 1 : vector<1024x64xbf16>, vector<1024x64xbf16>, vector<1024x64xbf16>, vector<1024x64xbf16>, vector<1024x64xbf16>, vector<1024x64xbf16>, vector<1024x64xbf16>, vector<1024x64xbf16>, vector<1024x64xbf16>, vector<1024x64xbf16>, vector<1024x64xbf16>, vector<1024x64xbf16> -> vector<1024x768xbf16>
    %get3A_61 = arith.constant 0 : index
    %get3A_62 = arith.constant 0 : index
    %get3A_63 = vector.load %arg4[%get3A_61, %get3A_62] : memref<1024x1024xbf16, #tpu.memory_space<vmem>>, vector<1024x1024xbf16>
    %dot_general3A = arith.constant dense<0.000000e+00> : vector<1024x768xf32>
    %dot_general3A_64 = tpu.matmul %get3A_63, %concatenate3A, %dot_general3A {dimension_numbers = #tpu.dot_dimension_numbers<[1], [0], [0], [1], [0, 0, 1, 1], [], []>, transpose_lhs_hint = false} : vector<1024x1024xbf16>, vector<1024x768xbf16>, vector<1024x768xf32> -> vector<1024x768xf32>
    %slice3A = vector.extract_strided_slice %dot_general3A_64 {offsets = [0, 0], sizes = [1024, 64], strides = [1, 1]} : vector<1024x768xf32> to vector<1024x64xf32>
    %swap3A = arith.constant 0 : index
    %swap3A_65 = arith.constant 0 : index
    %swap3A_66 = arith.constant 0 : index
    %swap3A_67 = vector.load %arg3[%swap3A, %swap3A_65, %swap3A_66] : memref<12x1024x64xf32, #tpu.memory_space<vmem>>, vector<1x1024x64xf32>
    %swap3A_68 = vector.shape_cast %swap3A_67 : vector<1x1024x64xf32> to vector<1024x64xf32>
    %swap3A_69 = vector.shape_cast %slice3A : vector<1024x64xf32> to vector<1x1024x64xf32>
    tpu.vector_store %arg3[%swap3A, %swap3A_65, %swap3A_66], %swap3A_69 {strides = array<i32>} : memref<12x1024x64xf32, #tpu.memory_space<vmem>>, vector<1x1024x64xf32>,
    %slice3A_70 = vector.extract_strided_slice %dot_general3A_64 {offsets = [0, 64], sizes = [1024, 64], strides = [1, 1]} : vector<1024x768xf32> to vector<1024x64xf32>
    %swap3A_71 = arith.constant 1 : index
    %swap3A_72 = arith.constant 0 : index
    %swap3A_73 = arith.constant 0 : index
    %swap3A_74 = vector.load %arg3[%swap3A_71, %swap3A_72, %swap3A_73] : memref<12x1024x64xf32, #tpu.memory_space<vmem>>, vector<1x1024x64xf32>
    %swap3A_75 = vector.shape_cast %swap3A_74 : vector<1x1024x64xf32> to vector<1024x64xf32>
    %swap3A_76 = vector.shape_cast %slice3A_70 : vector<1024x64xf32> to vector<1x1024x64xf32>
    tpu.vector_store %arg3[%swap3A_71, %swap3A_72, %swap3A_73], %swap3A_76 {strides = array<i32>} : memref<12x1024x64xf32, #tpu.memory_space<vmem>>, vector<1x1024x64xf32>,
    %slice3A_77 = vector.extract_strided_slice %dot_general3A_64 {offsets = [0, 128], sizes = [1024, 64], strides = [1, 1]} : vector<1024x768xf32> to vector<1024x64xf32>
    %swap3A_78 = arith.constant 2 : index
    %swap3A_79 = arith.constant 0 : index
    %swap3A_80 = arith.constant 0 : index
    %swap3A_81 = vector.load %arg3[%swap3A_78, %swap3A_79, %swap3A_80] : memref<12x1024x64xf32, #tpu.memory_space<vmem>>, vector<1x1024x64xf32>
    %swap3A_82 = vector.shape_cast %swap3A_81 : vector<1x1024x64xf32> to vector<1024x64xf32>
    %swap3A_83 = vector.shape_cast %slice3A_77 : vector<1024x64xf32> to vector<1x1024x64xf32>
    tpu.vector_store %arg3[%swap3A_78, %swap3A_79, %swap3A_80], %swap3A_83 {strides = array<i32>} : memref<12x1024x64xf32, #tpu.memory_space<vmem>>, vector<1x1024x64xf32>,
    %slice3A_84 = vector.extract_strided_slice %dot_general3A_64 {offsets = [0, 192], sizes = [1024, 64], strides = [1, 1]} : vector<1024x768xf32> to vector<1024x64xf32>
    %swap3A_85 = arith.constant 3 : index
    %swap3A_86 = arith.constant 0 : index
    %swap3A_87 = arith.constant 0 : index
    %swap3A_88 = vector.load %arg3[%swap3A_85, %swap3A_86, %swap3A_87] : memref<12x1024x64xf32, #tpu.memory_space<vmem>>, vector<1x1024x64xf32>
    %swap3A_89 = vector.shape_cast %swap3A_88 : vector<1x1024x64xf32> to vector<1024x64xf32>
    %swap3A_90 = vector.shape_cast %slice3A_84 : vector<1024x64xf32> to vector<1x1024x64xf32>
    tpu.vector_store %arg3[%swap3A_85, %swap3A_86, %swap3A_87], %swap3A_90 {strides = array<i32>} : memref<12x1024x64xf32, #tpu.memory_space<vmem>>, vector<1x1024x64xf32>,
    %slice3A_91 = vector.extract_strided_slice %dot_general3A_64 {offsets = [0, 256], sizes = [1024, 64], strides = [1, 1]} : vector<1024x768xf32> to vector<1024x64xf32>
    %swap3A_92 = arith.constant 4 : index
    %swap3A_93 = arith.constant 0 : index
    %swap3A_94 = arith.constant 0 : index
    %swap3A_95 = vector.load %arg3[%swap3A_92, %swap3A_93, %swap3A_94] : memref<12x1024x64xf32, #tpu.memory_space<vmem>>, vector<1x1024x64xf32>
    %swap3A_96 = vector.shape_cast %swap3A_95 : vector<1x1024x64xf32> to vector<1024x64xf32>
    %swap3A_97 = vector.shape_cast %slice3A_91 : vector<1024x64xf32> to vector<1x1024x64xf32>
    tpu.vector_store %arg3[%swap3A_92, %swap3A_93, %swap3A_94], %swap3A_97 {strides = array<i32>} : memref<12x1024x64xf32, #tpu.memory_space<vmem>>, vector<1x1024x64xf32>,
    %slice3A_98 = vector.extract_strided_slice %dot_general3A_64 {offsets = [0, 320], sizes = [1024, 64], strides = [1, 1]} : vector<1024x768xf32> to vector<1024x64xf32>
    %swap3A_99 = arith.constant 5 : index
    %swap3A_100 = arith.constant 0 : index
    %swap3A_101 = arith.constant 0 : index
    %swap3A_102 = vector.load %arg3[%swap3A_99, %swap3A_100, %swap3A_101] : memref<12x1024x64xf32, #tpu.memory_space<vmem>>, vector<1x1024x64xf32>
    %swap3A_103 = vector.shape_cast %swap3A_102 : vector<1x1024x64xf32> to vector<1024x64xf32>
    %swap3A_104 = vector.shape_cast %slice3A_98 : vector<1024x64xf32> to vector<1x1024x64xf32>
    tpu.vector_store %arg3[%swap3A_99, %swap3A_100, %swap3A_101], %swap3A_104 {strides = array<i32>} : memref<12x1024x64xf32, #tpu.memory_space<vmem>>, vector<1x1024x64xf32>,
    %slice3A_105 = vector.extract_strided_slice %dot_general3A_64 {offsets = [0, 384], sizes = [1024, 64], strides = [1, 1]} : vector<1024x768xf32> to vector<1024x64xf32>
    %swap3A_106 = arith.constant 6 : index
    %swap3A_107 = arith.constant 0 : index
    %swap3A_108 = arith.constant 0 : index
    %swap3A_109 = vector.load %arg3[%swap3A_106, %swap3A_107, %swap3A_108] : memref<12x1024x64xf32, #tpu.memory_space<vmem>>, vector<1x1024x64xf32>
    %swap3A_110 = vector.shape_cast %swap3A_109 : vector<1x1024x64xf32> to vector<1024x64xf32>
    %swap3A_111 = vector.shape_cast %slice3A_105 : vector<1024x64xf32> to vector<1x1024x64xf32>
    tpu.vector_store %arg3[%swap3A_106, %swap3A_107, %swap3A_108], %swap3A_111 {strides = array<i32>} : memref<12x1024x64xf32, #tpu.memory_space<vmem>>, vector<1x1024x64xf32>,
    %slice3A_112 = vector.extract_strided_slice %dot_general3A_64 {offsets = [0, 448], sizes = [1024, 64], strides = [1, 1]} : vector<1024x768xf32> to vector<1024x64xf32>
    %swap3A_113 = arith.constant 7 : index
    %swap3A_114 = arith.constant 0 : index
    %swap3A_115 = arith.constant 0 : index
    %swap3A_116 = vector.load %arg3[%swap3A_113, %swap3A_114, %swap3A_115] : memref<12x1024x64xf32, #tpu.memory_space<vmem>>, vector<1x1024x64xf32>
    %swap3A_117 = vector.shape_cast %swap3A_116 : vector<1x1024x64xf32> to vector<1024x64xf32>
    %swap3A_118 = vector.shape_cast %slice3A_112 : vector<1024x64xf32> to vector<1x1024x64xf32>
    tpu.vector_store %arg3[%swap3A_113, %swap3A_114, %swap3A_115], %swap3A_118 {strides = array<i32>} : memref<12x1024x64xf32, #tpu.memory_space<vmem>>, vector<1x1024x64xf32>,
    %slice3A_119 = vector.extract_strided_slice %dot_general3A_64 {offsets = [0, 512], sizes = [1024, 64], strides = [1, 1]} : vector<1024x768xf32> to vector<1024x64xf32>
    %swap3A_120 = arith.constant 8 : index
    %swap3A_121 = arith.constant 0 : index
    %swap3A_122 = arith.constant 0 : index
    %swap3A_123 = vector.load %arg3[%swap3A_120, %swap3A_121, %swap3A_122] : memref<12x1024x64xf32, #tpu.memory_space<vmem>>, vector<1x1024x64xf32>
    %swap3A_124 = vector.shape_cast %swap3A_123 : vector<1x1024x64xf32> to vector<1024x64xf32>
    %swap3A_125 = vector.shape_cast %slice3A_119 : vector<1024x64xf32> to vector<1x1024x64xf32>
    tpu.vector_store %arg3[%swap3A_120, %swap3A_121, %swap3A_122], %swap3A_125 {strides = array<i32>} : memref<12x1024x64xf32, #tpu.memory_space<vmem>>, vector<1x1024x64xf32>,
    %slice3A_126 = vector.extract_strided_slice %dot_general3A_64 {offsets = [0, 576], sizes = [1024, 64], strides = [1, 1]} : vector<1024x768xf32> to vector<1024x64xf32>
    %swap3A_127 = arith.constant 9 : index
    %swap3A_128 = arith.constant 0 : index
    %swap3A_129 = arith.constant 0 : index
    %swap3A_130 = vector.load %arg3[%swap3A_127, %swap3A_128, %swap3A_129] : memref<12x1024x64xf32, #tpu.memory_space<vmem>>, vector<1x1024x64xf32>
    %swap3A_131 = vector.shape_cast %swap3A_130 : vector<1x1024x64xf32> to vector<1024x64xf32>
    %swap3A_132 = vector.shape_cast %slice3A_126 : vector<1024x64xf32> to vector<1x1024x64xf32>
    tpu.vector_store %arg3[%swap3A_127, %swap3A_128, %swap3A_129], %swap3A_132 {strides = array<i32>} : memref<12x1024x64xf32, #tpu.memory_space<vmem>>, vector<1x1024x64xf32>,
    %slice3A_133 = vector.extract_strided_slice %dot_general3A_64 {offsets = [0, 640], sizes = [1024, 64], strides = [1, 1]} : vector<1024x768xf32> to vector<1024x64xf32>
    %swap3A_134 = arith.constant 10 : index
    %swap3A_135 = arith.constant 0 : index
    %swap3A_136 = arith.constant 0 : index
    %swap3A_137 = vector.load %arg3[%swap3A_134, %swap3A_135, %swap3A_136] : memref<12x1024x64xf32, #tpu.memory_space<vmem>>, vector<1x1024x64xf32>
    %swap3A_138 = vector.shape_cast %swap3A_137 : vector<1x1024x64xf32> to vector<1024x64xf32>
    %swap3A_139 = vector.shape_cast %slice3A_133 : vector<1024x64xf32> to vector<1x1024x64xf32>
    tpu.vector_store %arg3[%swap3A_134, %swap3A_135, %swap3A_136], %swap3A_139 {strides = array<i32>} : memref<12x1024x64xf32, #tpu.memory_space<vmem>>, vector<1x1024x64xf32>,
    %slice3A_140 = vector.extract_strided_slice %dot_general3A_64 {offsets = [0, 704], sizes = [1024, 64], strides = [1, 1]} : vector<1024x768xf32> to vector<1024x64xf32>
    %swap3A_141 = arith.constant 11 : index
    %swap3A_142 = arith.constant 0 : index
    %swap3A_143 = arith.constant 0 : index
    %swap3A_144 = vector.load %arg3[%swap3A_141, %swap3A_142, %swap3A_143] : memref<12x1024x64xf32, #tpu.memory_space<vmem>>, vector<1x1024x64xf32>
    %swap3A_145 = vector.shape_cast %swap3A_144 : vector<1x1024x64xf32> to vector<1024x64xf32>
    %swap3A_146 = vector.shape_cast %slice3A_140 : vector<1024x64xf32> to vector<1x1024x64xf32>
    tpu.vector_store %arg3[%swap3A_141, %swap3A_142, %swap3A_143], %swap3A_146 {strides = array<i32>} : memref<12x1024x64xf32, #tpu.memory_space<vmem>>, vector<1x1024x64xf32>,
    return
  }
  func.func @transform_0(%arg0: i32) -> (i32, i32, i32) {
    %c0_i32 = arith.constant 0 : i32
    %c0_i32_0 = arith.constant 0 : i32
    %c0_i32_1 = arith.constant 0 : i32
    return %arg0, %c0_i32, %c0_i32_0 : i32, i32, i32
  }
  func.func @transform_1(%arg0: i32) -> (i32, i32, i32) {
    %c0_i32 = arith.constant 0 : i32
    %c0_i32_0 = arith.constant 0 : i32
    %c0_i32_1 = arith.constant 0 : i32
    %c0_i32_2 = arith.constant 0 : i32
    return %c0_i32, %c0_i32_0, %c0_i32_1 : i32, i32, i32
  }
  func.func @transform_2(%arg0: i32) -> (i32, i32, i32) {
    %c0_i32 = arith.constant 0 : i32
    %c0_i32_0 = arith.constant 0 : i32
    %c0_i32_1 = arith.constant 0 : i32
    return %arg0, %c0_i32, %c0_i32_0 : i32, i32, i32
  }
}

</mosaic_0001>

<sc_bundles>
// kernel: kernel.5.cloned.1.call-start
scs
__scs_entry_jumppad:
0x0: {  	(pc) =	sbr.rel $0x88, $3  }
0x1: {  	(tag) =	ssettag $0x0;
	lr =	simm.s32 $0x1  }
0x2: {  	[smem:$0x3F9C] =	sst lr;
	_ =	strace $0xD0000000  }
0x3: {  	_ = 	snop  }
0x4: {  	_ = 	snop  }
0x5: {  	_ = 	snop  }
0x6: {  	_ = 	snop  }
0x7: {  	_ = 	snop  }
__scs_overlays_trampoline_lowered:
0x8: {  	[smem:$0x3FAB] =	sst s0  }
0x9: {  	[smem:$0x3FAC] =	sst s1  }
0xa: {  	[smem:$0x3FAD] =	sst s2  }
0xb: {  	[smem:$0x3FAE] =	sst s3  }
0xc: {  	[smem:$0x3FAF] =	sst s4  }
0xd: {  	[smem:$0x3FB0] =	sst s5  }
0xe: {  	[smem:$0x3FB1] =	sst s6  }
0xf: {  	[smem:$0x3FB2] =	sst s7  }
0x10: {  	[smem:$0x3FB3] =	sst s8  }
0x11: {  	[smem:$0x3FB4] =	sst s9;
	s0 =	simm.s32 @!p0 $0x0  }
0x12: {  	s1 =	sld [smem:$0x3F9A];
	s0 =	simm.s32 @p0 $0x1  }
0x13: {  	[smem:$0x3FB5] =	sst s0;
	s0 =	simm.s32 @!p1 $0x0  }
0x14: {  	s2 =	sld [smem:$0x3F99];
	s0 =	simm.s32 @p1 $0x1  }
0x15: {  	[smem:$0x3FB6] =	sst s0;
	s0 =	simm.s32 @!p2 $0x0  }
0x16: {  	s3 =	sld [smem:$0x3FDB];
	s0 =	simm.s32 @p2 $0x1  }
0x17: {  	s4 =	simm.s32 $0x1BF5;
	[smem:$0x3FB8] =	sst s0  }
0x18: {  	s0 =	sld [smem:$0x3F9B];
	_ =	swait.ge [sflag:s4], $0x0  }
0x19: {  	s7 =	sld [smem:$0x3F9C]  }
0x1a: {  	s8 =	sadd.s32 $0xFFFFE003, lr  }
0x1b: {  	s9 =	sadd.s32 $0xFFFFFEF7, lr;
	s5 =	simm.s32 $0xFFFFFFFF;
	p2 =	slt.u32 s8, $0xFFFFF086  }
0x1c: {  	p1 =	slt.u32 s9, $0xF7A;
	s5 =	simm.s32 @!p2 $0x0  }
0x1d: {  	s5 =	simm.s32 @p1 $0x1;
	p0 =	seq.s32 s7, s2  }
0x1e: {  	s7 =	smul.u32 @!p0 $0xF7A, s2;
	p2 =	seq.s32 @!p0 s5, $0x0  }
0x1f: {  	s9 =	smul.u32 $0xF7A, s1;
	s8 =	simm.s32 @!p0 $0x1BF5;
	p2 =	por !p2, p0  }
0x20: {  	[sflag:s8] =	ssyncset.s32 @!p0 $0xFFFFF086;
	s6 =	sadd.s32 @!p0 s3, s7;
	s7 =	simm.s32 @!p0 $0x108  }
0x21: {  	s3 =	sadd.s32 s3, s9;
	s6 =	sadd.s32 @!p0 $0x88, s6;
	s7 =	simm.s32 @p2 $0x1082  }
0x22: {  	[simem:s7], [sflag:s8] =	dma.local @!p0 [hbm:s6], $0xF7A  }
0x23: {  	s9 =	sor.u32 $0xD0000000, s2;
	s6 =	simm.s32 $0x108;
	_ =	swait.ge @!p0 [sflag:s8], $0x0  }
0x24: {  	s3 =	sadd.s32 $0x88, s3;
	s6 =	simm.s32 @!p1 $0x1082;
	[sflag:s4] =	ssyncset.s32 $0xFFFFF086  }
0x25: {  	[simem:s6], [sflag:s4] =	dma.local [hbm:s3], $0xF7A  }
0x26: {  	[smem:$0x3F9C] =	sst s1;
	(tag) =	ssettag s2;
	_ =	strace s9  }
0x27: {  	s1 =	sld [smem:$0x3FAC]  }
0x28: {  	s2 =	sld [smem:$0x3FAD]  }
0x29: {  	s4 =	sld [smem:$0x3FAF]  }
0x2a: {  	p0 =	seq.s32 s5, $0x0;
	s5 =	sld [smem:$0x3FB0]  }
0x2b: {  	s6 =	sld [smem:$0x3FB1]  }
0x2c: {  	s7 =	sld [smem:$0x3FB2]  }
0x2d: {  	s3 =	simm.s32 $0x108;
	s8 =	sld [smem:$0x3FB3]  }
0x2e: {  	s3 =	simm.s32 @!p0 $0x1082;
	s9 =	sld [smem:$0x3FB4]  }
0x2f: {  	lr =	sadd.s32 s0, s3;
	s0 =	sld [smem:$0x3FAB]  }
0x30: {  	s3 =	sld [smem:$0x3FAE]  }
0x31: {  	[smem:$0x3FB7] =	sst s10  }
0x32: {  	s10 =	sld [smem:$0x3FB5];
	_ =	sdelay $0x3  }
0x33: {  	p0 =	seq.s32 s10, $0x1;
	s10 =	sld [smem:$0x3FB7];
	_ =	sdelay $0x3  }
0x34: {  	[smem:$0x3FB7] =	sst s10  }
0x35: {  	s10 =	sld [smem:$0x3FB6];
	_ =	sdelay $0x3  }
0x36: {  	p1 =	seq.s32 s10, $0x1;
	s10 =	sld [smem:$0x3FB7];
	_ =	sdelay $0x3  }
0x37: {  	[smem:$0x3FB7] =	sst s10  }
0x38: {  	s10 =	sld [smem:$0x3FB8]  }
0x39: {  	_ = 	snop;
	(pc) =	sbr.ind lr, $3  }
0x3a: {  	_ = 	snop  }
0x3b: {  	_ = 	snop  }
0x3c: {  	p2 =	seq.s32 s10, $0x1;
	s10 =	sld [smem:$0x3FB7]  }
0x3d: {  	_ =	shalt  }
0x3e: {  	_ =	shalt  }
0x3f: {  	_ =	shalt  }
0x40: {  	_ =	shalt  }
0x41: {  	_ =	shalt  }
0x42: {  	_ =	shalt  }
0x43: {  	_ =	shalt  }
0x44: {  	_ =	shalt  }
0x45: {  	_ =	shalt  }
0x46: {  	_ =	shalt  }
0x47: {  	_ =	shalt  }
0x48: {  	_ =	shalt  }
0x49: {  	_ =	shalt  }
0x4a: {  	_ =	shalt  }
0x4b: {  	_ =	shalt  }
0x4c: {  	_ =	shalt  }
0x4d: {  	_ =	shalt  }
0x4e: {  	_ =	shalt  }
0x4f: {  	_ =	shalt  }
0x50: {  	_ =	shalt  }
0x51: {  	_ =	shalt  }
0x52: {  	_ =	shalt  }
0x53: {  	_ =	shalt  }
0x54: {  	_ =	shalt  }
0x55: {  	_ =	shalt  }
0x56: {  	_ =	shalt  }
0x57: {  	_ =	shalt  }
0x58: {  	_ =	shalt  }
0x59: {  	_ =	shalt  }
0x5a: {  	_ =	shalt  }
0x5b: {  	_ =	shalt  }
0x5c: {  	_ =	shalt  }
0x5d: {  	_ =	shalt  }
0x5e: {  	_ =	shalt  }
0x5f: {  	_ =	shalt  }
0x60: {  	_ =	shalt  }
0x61: {  	_ =	shalt  }
0x62: {  	_ =	shalt  }
0x63: {  	_ =	shalt  }
0x64: {  	_ =	shalt  }
0x65: {  	_ =	shalt  }
0x66: {  	_ =	shalt  }
0x67: {  	_ =	shalt  }
0x68: {  	_ =	shalt  }
0x69: {  	_ =	shalt  }
0x6a: {  	_ =	shalt  }
0x6b: {  	_ =	shalt  }
0x6c: {  	_ =	shalt  }
0x6d: {  	_ =	shalt  }
0x6e: {  	_ =	shalt  }
0x6f: {  	_ =	shalt  }
0x70: {  	_ =	shalt  }
0x71: {  	_ =	shalt  }
0x72: {  	_ =	shalt  }
0x73: {  	_ =	shalt  }
0x74: {  	_ =	shalt  }
0x75: {  	_ =	shalt  }
0x76: {  	_ =	shalt  }
0x77: {  	_ =	shalt  }
0x78: {  	_ =	shalt  }
0x79: {  	_ =	shalt  }
0x7a: {  	_ =	shalt  }
0x7b: {  	_ =	shalt  }
0x7c: {  	_ =	shalt  }
0x7d: {  	_ =	shalt  }
0x7e: {  	_ =	shalt  }
0x7f: {  	_ =	shalt  }
0x80: {  	_ =	shalt  }
0x81: {  	_ =	shalt  }
0x82: {  	_ =	shalt  }
0x83: {  	_ =	shalt  }
0x84: {  	_ =	shalt  }
0x85: {  	_ =	shalt  }
0x86: {  	_ =	shalt  }
0x87: {  	_ =	shalt  }
.Lfunc_end0:
.L_simem_size_0:
called_computation_lowered:
.L_overlay_start_0:
0x88: {  	s2 =	sld [smem:$0x3FD9]  }
0x89: {  	s3 =	sld [smem:$0x3FFE];
	_ =	sdelay $0x1  }
0x8a: {  	s1 =	srdreg.scid  }
0x8b: {  	s0 =	sand.u32 $0x1, s1  }
0x8c: {  	s17 =	sshll.u32 s0, $0xA;
	s2 =	sadd.s32 s3, s2  }
0x8d: {  	s2 =	sadd.s32 s2, s17  }
0x8e: {  	[smem:$0x3FC3] =	sst s2  }
0x8f: {  	_ = 	snop  }
0x90: {  	s2 =	sld [smem:$0x3FD0];
	(tm) =	ssettm $0x1  }
0x91: {  	s18 =	sld [smem:$0x3FFB];
	_ =	sdelay $0x3  }
0x92: {  	_ =	strace s18  }
0x93: {  	s3 =	sld [smem:$0x3FFC];
	_ =	sdelay $0x3  }
0x94: {  	_ =	strace s3  }
0x95: {  	s3 =	sld [smem:$0x3FFD];
	_ =	sdelay $0x3  }
0x96: {  	_ =	strace s3  }
0x97: {  	_ =	strace $0x8FFFFFFF  }
0x98: {  	s19 =	sld [smem:$0x3FDB];
	_ =	sdelay $0x1  }
0x99: {  	s4 =	simm.s32 $_scs_section_size  }
0x9a: {  	s5 =	simm.s32 $_size__tile_overlayer_lowered;
	s6 =	simm.s32 $_tile_overlayer_lowered  }
0x9b: {  	s22 =	simm.s32 $0x1BFF;
	s21 =	sshll.u32 s6, $0x1;
	s3 =	sadd.s32 s4, s19  }
0x9c: {  	s7 =	simm.s32 $0x0;
	s20 =	sshll.u32 s5, $0x1;
	s5 =	sadd.s32 s21, s3  }
0x9d: {  	[timem:s7], [sflag:s22] =	dma.local [hbm:s5], s20  }
0x9e: {  	_ =	swait.ge [sflag:s22], s20  }
0x9f: {  	s4 =	ssub.s32 $0x0, s20;
	[sflag:s22] =	ssyncset.done $0x0  }
0xa0: {  	[sflag:s22] =	ssyncadd.s32 s4;
	_ =	sdelay $0x1  }
0xa1: {  	s23 =	simm.s32 $0x1B8B  }
0xa2: {  	_ =	swait.ge [sflag:s23], $0x1  }
0xa3: {  	[sflag:s23] =	ssyncset.done $0x0  }
0xa4: {  	s25 =	simm.s32 $0x1B8E;
	s24 =	sld [smem:$0x3FFE];
	[sflag:s23] =	ssyncadd.s32 $0xFFFFFFFF  }
0xa5: {  	s26 =	simm.s32 $execute0_lowered;
	[smem:$0x3FD2] =	sst s25  }
0xa6: {  	s5 =	sshll.u32 s26, $0x1;
	_ =	strace $0x80000046;
	[dreg:$0x1] =	wrdreg $0xFFFFFFFF  }
0xa7: {  	s28 =	simm.s32 $_size_execute0_lowered;
	s3 =	sadd.s32 s3, s5;
	[dreg:$0x0] =	wrdreg $0x0  }
0xa8: {  	s5 =	sshll.u32 s28, $0x1;
	[dreg:$0x2] =	wrdreg s3  }
0xa9: {  	[dreg:$0x3] =	wrdreg s5  }
0xaa: {  	[dreg:$0x4] =	wrdreg $0xC0  }
0xab: {  	_ =	task [dreg:s7], $0x5FFFF  }
0xac: {  	[dreg:$0x1] =	wrdreg $0xFFFFFFFF  }
0xad: {  	[dreg:$0x0] =	wrdreg $0x60  }
0xae: {  	[dreg:$0x2] =	wrdreg s24  }
0xaf: {  	[dreg:$0x3] =	wrdreg s2  }
0xb0: {  	[dreg:$0x4] =	wrdreg $0x9  }
0xb1: {  	_ =	task.clear_ibuf [dreg:s7], $0x5FFFF;
	_ =	strace $0x90000046  }
0xb2: {  	s29 =	simm.s32 $0x9;
	_ =	strace $0x80000048  }
0xb3: {  	_ =	swait.ge [sflag:s29], $0x1  }
0xb4: {  	[sflag:s29] =	ssyncadd.s32 $0xFFFFFFFF  }
0xb5: {  	_ =	strace $0x90000048  }
0xb6: {  	_ =	sfence  }
0xb7: {  	s30 =	sld [smem:$0x0];
	_ =	sdelay $0x2  }
0xb8: {  	s31 =	sshll.u32 s1, $0xD;
	s1 =	sshrl.u32 s1, $0x2  }
0xb9: {  	s3 =	sand.u32 $0x4000, s31;
	s1 =	sadd.s32 s1, s30  }
0xba: {  	s0 =	sor.u32 s3, s0;
	s1 =	sshll.u32 s1, $0x11  }
0xbb: {  	s0 =	sor.u32 s1, s0  }
0xbc: {  	s0 =	sadd.s32 $0x8F2B, s0  }
0xbd: {  	[sflag:s0] =	ssyncadd.remote.s32 $0x1  }
0xbe: {  	_ =	sfence.sel $0xFFFF  }
0xbf: {  	[dreg:$0x0] =	wrdreg $0xFFFFFFFF;
	(pc) =	sbr.abs _section_cstart, $3  }
0xc0: {  	[dreg:$0x1] =	wrdreg $0xFFFFFFFF  }
0xc1: {  	_ =	task.clear_ibuf [dreg:s7], $0x2FFFF;
	_ =	strace $0x9FFFFFFF  }
0xc2: {  	(tm) =	ssettm $0x7FFFFFFF  }
0xc3: {  	_ =	shalt  }
tec
execute0_lowered:
.L_overlay_start_1:
0x0: {  	(tag) =	ssettag $0x1  }
0x1: {  	s0 =	rddreg [dreg:$0x0]  }
0x2: {  	s2 =	rddreg [dreg:$0x1]  }
0x3: {  	s1 =	simm.s32 $0x0;
	s3 =	srdreg.scid;
	s6 =	stileid.u32  }
0x4: {  	s18 =	simm.s32 $0x2;
	s19 =	simm.s32 $0x1;
	s22 =	simm.s32 $0x2800  }
0x5: {  	s25 =	simm.s32 $0x5800;
	s26 =	simm.s32 $0x6800;
	s28 =	simm.s32 $0x7800  }
0x6: {  	s29 =	simm.s32 $0x8800;
	s30 =	simm.s32 $0x9800;
	s31 =	simm.s32 $0x0  }
0x7: {  	[smem:$0x7FF] =	sst s1;
	s7 =	sand.u32 $0x1, s3;
	s3 =	sadd.s32 $0x2600, s0  }
0x8: {  	s4 =	sadd.s32 $0x1C00, s0;
	_ =	strace $0x80000047;
	s5 =	sshll.u32 s7, $0x4  }
0x9: {  	s9 =	ssub.s32 $0x2, s7;
	s7 =	sadd.s32 $0x1000, s0;
	s5 =	sor.u32 s6, s5  }
.Ltmp0:
0xa: {  	s23 =	sshrl.u32 s9, $0x1;
	s8 =	sshll.u32 s5, $0x9;
	(pc) =	sbr.rel .LBB2_1-.Ltmp0, $4  }
0xb: {  	s6 =	sadd.s32 $0x1200, s0;
	s0 =	ssub.s32 s9, s23;
	s8 =	sadd.s32 s2, s8  }
0xc: {  	s24 =	sshll.u32 s5, $0x5;
	s16 =	smax.u32 s0, $0x1;
	s9 =	sadd.s32 $0x4000, s8  }
0xd: {  	s10 =	sadd.s32 $0x8000, s8;
	s11 =	sadd.s32 $0xC000, s8;
	s12 =	sadd.s32 $0x10000, s8  }
0xe: {  	v1 =	vimm.f32 $0.0e+00;
	v2 =	vlaneseq.u32;
	v0 =	vmov s24;
	s13 =	sadd.s32 $0x14000, s8;
	s14 =	sadd.s32 $0x18000, s8;
	s15 =	sadd.s32 $0x1C000, s8  }
.LBB2_6:
0xf: {  	vm0 =	vmand vm0, vm1  }
0x10: {  	v3 =	vsub.s32 v5, v0;
	v4 =	vnsel vm0, $0x0, v6  }
0x11: {  	v3 =	vshll.u32 v3, $0x7;
	v62 =	vshll.u32 v4, $0x5  }
0x12: {  	v3 =	vnsel vm0, $0x0, v3;
	v5 =	vand.u32 $0xFFFFF000, v62  }
0x13: {  	v4 =	vand.u32 $0x7F, v4;
	v3 =	vadd.s32 v3, v5  }
0x14: {  	v63 =	vld [tilespmem:s20+$0x1800];
	v3 =	vor.u32 v4, v3;
	_ =	sdelay $0x4  }
0x15: {  	[tilespmem:v3+s22+$0x0] =	vst.idx.msk vm0, v63  }
.LBB2_7:
0x16: {  	[hbm4b:s8+s1] =	stream.linear.scatter [tilespmem:s22], [sflag:$0x1], $0x1000, $0x38;
	[tilespmem:$0xA800] =	vst v63  }
0x17: {  	s0 =	simm.s32 $0x3800  }
0x18: {  	[hbm4b:s9+s1] =	stream.linear.scatter [tilespmem:s0], [sflag:$0x1], $0x1000, $0x38;
	[tilespmem:$0xA800] =	vst v63  }
0x19: {  	s24 =	simm.s32 $0x4800  }
0x1a: {  	[hbm4b:s10+s1] =	stream.linear.scatter [tilespmem:s24], [sflag:$0x1], $0x1000, $0x38;
	[tilespmem:$0xA800] =	vst v63  }
0x1b: {  	_ = 	snop  }
0x1c: {  	[hbm4b:s11+s1] =	stream.linear.scatter [tilespmem:s25], [sflag:$0x1], $0x1000, $0x38;
	[tilespmem:$0xA800] =	vst v63  }
0x1d: {  	_ = 	snop  }
0x1e: {  	[hbm4b:s12+s1] =	stream.linear.scatter [tilespmem:s26], [sflag:$0x1], $0x1000, $0x38;
	[tilespmem:$0xA800] =	vst v63  }
0x1f: {  	_ = 	snop  }
0x20: {  	[hbm4b:s13+s1] =	stream.linear.scatter [tilespmem:s28], [sflag:$0x1], $0x1000, $0x38;
	[tilespmem:$0xA800] =	vst v63  }
0x21: {  	_ = 	snop  }
0x22: {  	[hbm4b:s14+s1] =	stream.linear.scatter [tilespmem:s29], [sflag:$0x1], $0x1000, $0x38;
	[tilespmem:$0xA800] =	vst v63  }
0x23: {  	_ = 	snop  }
0x24: {  	[hbm4b:s15+s1] =	stream.linear.scatter [tilespmem:s30], [sflag:$0x1], $0x1000, $0x38;
	[tilespmem:$0xA800] =	vst v63  }
0x25: {  	_ =	swait.ge [sflag:s19], $0x1000  }
0x26: {  	[sflag:s19] =	ssyncset.done $0x0  }
0x27: {  	[sflag:s19] =	ssyncadd.s32 $0xFFFFF000  }
0x28: {  	_ =	swait.ge [sflag:s19], $0x1000  }
0x29: {  	[sflag:s19] =	ssyncset.done $0x0  }
0x2a: {  	[sflag:s19] =	ssyncadd.s32 $0xFFFFF000  }
0x2b: {  	_ =	swait.ge [sflag:s19], $0x1000  }
0x2c: {  	[sflag:s19] =	ssyncset.done $0x0  }
0x2d: {  	[sflag:s19] =	ssyncadd.s32 $0xFFFFF000  }
0x2e: {  	_ =	swait.ge [sflag:s19], $0x1000  }
0x2f: {  	[sflag:s19] =	ssyncset.done $0x0  }
0x30: {  	[sflag:s19] =	ssyncadd.s32 $0xFFFFF000  }
0x31: {  	_ =	swait.ge [sflag:s19], $0x1000  }
0x32: {  	[sflag:s19] =	ssyncset.done $0x0  }
0x33: {  	[sflag:s19] =	ssyncadd.s32 $0xFFFFF000  }
0x34: {  	_ =	swait.ge [sflag:s19], $0x1000  }
0x35: {  	[sflag:s19] =	ssyncset.done $0x0  }
0x36: {  	s31 =	sadd.s32 $0x1, s31;
	[sflag:s19] =	ssyncadd.s32 $0xFFFFF000  }
0x37: {  	p0 =	sne.s32 s31, s16;
	_ =	swait.ge [sflag:s19], $0x1000  }
.Ltmp1:
0x38: {  	[sflag:s19] =	ssyncset.done $0x0;
	(pc) =	sbr.rel @!p0 .LBB2_8-.Ltmp1, $4  }
0x39: {  	[sflag:s19] =	ssyncadd.s32 $0xFFFFF000  }
0x3a: {  	_ =	swait.ge [sflag:s19], $0x1000  }
0x3b: {  	[sflag:s19] =	ssyncset.done $0x0  }
0x3c: {  	[sflag:s19] =	ssyncadd.s32 $0xFFFFF000  }
.LBB2_1:
0x3d: {  	s0 =	simm.s32 $0x2400  }
0x3e: {  	[tilespmem:s0], [sflag:$0x2] =	stream.linear.gather [hbm4b:s7+s1], $0x400, $0x38;
	[tilespmem:$0xA800] =	vst v63  }
0x3f: {  	_ =	swait.ge [sflag:s18], $0x400  }
0x40: {  	[sflag:s18] =	ssyncset.done $0x0  }
0x41: {  	[sflag:s18] =	ssyncadd.s32 $0xFFFFFC00  }
0x42: {  	v3 =	vld [tilespmem:s5+$0x2400];
	_ =	sdelay $0x4  }
0x43: {  	(v2sf) =	vpush v3, $0x0;
	_ =	sdelay $0xe  }
0x44: {  	s0 =	spop (v2sf)  }
0x45: {  	s2 =	sand.u32 $0x7F, s0  }
0x46: {  	s17 =	sshra.s32 s0, $0x1F;
	p0 =	slt.s32 s0, $0x1;
	p1 =	sne.s32 s2, $0x0  }
0x47: {  	s21 =	sshrl.u32 s17, $0x19;
	p0 =	por !p0, !p1  }
0x48: {  	s17 =	simm.s32 $0x1;
	s2 =	sadd.s32 s21, s0;
	p0 =	por !p0, !p0  }
0x49: {  	s2 =	sshra.s32 s2, $0x7;
	s17 =	simm.s32 @!p0 $0x0  }
0x4a: {  	s2 =	ssub.s32 s2, s17  }
0x4b: {  	s17 =	sshll.u32 s2, $0x4  }
0x4c: {  	s17 =	sand.u32 $0xFFFFF80, s17  }
0x4d: {  	s20 =	sadd.s32 s3, s17  }
0x4e: {  	v3 =	vld [tilespmem:s5+$0x2401];
	[tilespmem:s1], [sflag:$0x1] =	stream.linear.gather [hbm4b:s20+s1], $0xC00, $0x38  }
0x4f: {  	s21 =	simm.s32 $0xC00;
	s23 =	sadd.s32 s4, s17  }
0x50: {  	[tilespmem:s21], [sflag:$0x1] =	stream.linear.gather [hbm4b:s23+s1], $0xC00, $0x38;
	[tilespmem:$0xA800] =	vst v63  }
0x51: {  	s24 =	simm.s32 $0x1800;
	s17 =	sadd.s32 s6, s17  }
0x52: {  	[tilespmem:s24], [sflag:$0x1] =	stream.linear.gather [hbm4b:s17+s1], $0xC00, $0x38;
	[tilespmem:$0xA800] =	vst v63  }
0x53: {  	s20 =	simm.s32 $0x200;
	s17 =	simm.s32 $0x0  }
.LBB2_2:
0x54: {  	p0 =	sne.s32 s20, $0x3E00;
	[tilespmem:s17+$0x9870] =	vst v1  }
0x55: {  	[tilespmem:s17+$0x2800] =	vst v1  }
0x56: {  	[tilespmem:s17+$0x2810] =	vst v1  }
0x57: {  	[tilespmem:s17+$0x2820] =	vst v1  }
0x58: {  	[tilespmem:s17+$0x2830] =	vst v1  }
0x59: {  	[tilespmem:s17+$0x2840] =	vst v1  }
0x5a: {  	[tilespmem:s17+$0x2850] =	vst v1  }
0x5b: {  	[tilespmem:s17+$0x2860] =	vst v1  }
0x5c: {  	[tilespmem:s17+$0x2870] =	vst v1  }
0x5d: {  	[tilespmem:s17+$0x3800] =	vst v1  }
0x5e: {  	[tilespmem:s17+$0x3810] =	vst v1  }
0x5f: {  	[tilespmem:s17+$0x3820] =	vst v1  }
0x60: {  	[tilespmem:s17+$0x3830] =	vst v1  }
0x61: {  	[tilespmem:s17+$0x3840] =	vst v1  }
0x62: {  	[tilespmem:s17+$0x3850] =	vst v1  }
0x63: {  	[tilespmem:s17+$0x3860] =	vst v1  }
0x64: {  	[tilespmem:s17+$0x3870] =	vst v1  }
0x65: {  	[tilespmem:s17+$0x4800] =	vst v1  }
0x66: {  	[tilespmem:s17+$0x4810] =	vst v1  }
0x67: {  	[tilespmem:s17+$0x4820] =	vst v1  }
0x68: {  	[tilespmem:s17+$0x4830] =	vst v1  }
0x69: {  	[tilespmem:s17+$0x4840] =	vst v1  }
0x6a: {  	[tilespmem:s17+$0x4850] =	vst v1  }
0x6b: {  	[tilespmem:s17+$0x4860] =	vst v1  }
0x6c: {  	[tilespmem:s17+$0x4870] =	vst v1  }
0x6d: {  	[tilespmem:s17+$0x5800] =	vst v1  }
0x6e: {  	[tilespmem:s17+$0x5810] =	vst v1  }
0x6f: {  	[tilespmem:s17+$0x5820] =	vst v1  }
0x70: {  	[tilespmem:s17+$0x5830] =	vst v1  }
0x71: {  	[tilespmem:s17+$0x5840] =	vst v1  }
0x72: {  	[tilespmem:s17+$0x5850] =	vst v1  }
0x73: {  	[tilespmem:s17+$0x5860] =	vst v1  }
0x74: {  	[tilespmem:s17+$0x5870] =	vst v1  }
0x75: {  	[tilespmem:s17+$0x6800] =	vst v1  }
0x76: {  	[tilespmem:s17+$0x6810] =	vst v1  }
0x77: {  	[tilespmem:s17+$0x6820] =	vst v1  }
0x78: {  	[tilespmem:s17+$0x6830] =	vst v1  }
0x79: {  	[tilespmem:s17+$0x6840] =	vst v1  }
0x7a: {  	[tilespmem:s17+$0x6850] =	vst v1  }
0x7b: {  	[tilespmem:s17+$0x6860] =	vst v1  }
0x7c: {  	[tilespmem:s17+$0x6870] =	vst v1  }
0x7d: {  	[tilespmem:s17+$0x7800] =	vst v1  }
0x7e: {  	[tilespmem:s17+$0x7810] =	vst v1  }
0x7f: {  	[tilespmem:s17+$0x7820] =	vst v1  }
0x80: {  	[tilespmem:s17+$0x7830] =	vst v1  }
0x81: {  	[tilespmem:s17+$0x7840] =	vst v1  }
0x82: {  	[tilespmem:s17+$0x7850] =	vst v1  }
0x83: {  	[tilespmem:s17+$0x7860] =	vst v1  }
0x84: {  	[tilespmem:s17+$0x7870] =	vst v1  }
0x85: {  	[tilespmem:s17+$0x8800] =	vst v1  }
0x86: {  	[tilespmem:s17+$0x8810] =	vst v1  }
0x87: {  	[tilespmem:s17+$0x8820] =	vst v1  }
0x88: {  	[tilespmem:s17+$0x8830] =	vst v1  }
0x89: {  	[tilespmem:s17+$0x8840] =	vst v1  }
0x8a: {  	[tilespmem:s17+$0x8850] =	vst v1  }
0x8b: {  	[tilespmem:s17+$0x8860] =	vst v1  }
0x8c: {  	[tilespmem:s17+$0x8870] =	vst v1  }
0x8d: {  	[tilespmem:s17+$0x9800] =	vst v1  }
0x8e: {  	[tilespmem:s17+$0x9810] =	vst v1  }
.Ltmp2:
0x8f: {  	[tilespmem:s17+$0x9820] =	vst v1;
	(pc) =	sbr.rel @p0 .LBB2_2-.Ltmp2, $4  }
0x90: {  	[tilespmem:s17+$0x9830] =	vst v1  }
0x91: {  	[tilespmem:s17+$0x9840] =	vst v1  }
0x92: {  	[tilespmem:s17+$0x9850] =	vst v1  }
0x93: {  	[tilespmem:s17+$0x9860] =	vst v1;
	s17 =	sshra.s32 s20, $0x2;
	s20 =	sadd.s32 $0x200, s20  }
0x94: {  	[tilespmem:s17+$0x9870] =	vst v1  }
0x95: {  	[tilespmem:s17+$0x2800] =	vst v1  }
0x96: {  	[tilespmem:s17+$0x2810] =	vst v1  }
0x97: {  	[tilespmem:s17+$0x2820] =	vst v1  }
0x98: {  	[tilespmem:s17+$0x2830] =	vst v1  }
0x99: {  	[tilespmem:s17+$0x2840] =	vst v1  }
0x9a: {  	[tilespmem:s17+$0x2850] =	vst v1  }
0x9b: {  	[tilespmem:s17+$0x2860] =	vst v1  }
0x9c: {  	[tilespmem:s17+$0x2870] =	vst v1  }
0x9d: {  	[tilespmem:s17+$0x3800] =	vst v1  }
0x9e: {  	[tilespmem:s17+$0x3810] =	vst v1  }
0x9f: {  	[tilespmem:s17+$0x3820] =	vst v1  }
0xa0: {  	[tilespmem:s17+$0x3830] =	vst v1  }
0xa1: {  	[tilespmem:s17+$0x3840] =	vst v1  }
0xa2: {  	[tilespmem:s17+$0x3850] =	vst v1  }
0xa3: {  	[tilespmem:s17+$0x3860] =	vst v1  }
0xa4: {  	[tilespmem:s17+$0x3870] =	vst v1  }
0xa5: {  	[tilespmem:s17+$0x4800] =	vst v1  }
0xa6: {  	[tilespmem:s17+$0x4810] =	vst v1  }
0xa7: {  	[tilespmem:s17+$0x4820] =	vst v1  }
0xa8: {  	[tilespmem:s17+$0x4830] =	vst v1  }
0xa9: {  	[tilespmem:s17+$0x4840] =	vst v1  }
0xaa: {  	[tilespmem:s17+$0x4850] =	vst v1  }
0xab: {  	[tilespmem:s17+$0x4860] =	vst v1  }
0xac: {  	[tilespmem:s17+$0x4870] =	vst v1  }
0xad: {  	[tilespmem:s17+$0x5800] =	vst v1  }
0xae: {  	[tilespmem:s17+$0x5810] =	vst v1  }
0xaf: {  	[tilespmem:s17+$0x5820] =	vst v1  }
0xb0: {  	[tilespmem:s17+$0x5830] =	vst v1  }
0xb1: {  	[tilespmem:s17+$0x5840] =	vst v1  }
0xb2: {  	[tilespmem:s17+$0x5850] =	vst v1  }
0xb3: {  	[tilespmem:s17+$0x5860] =	vst v1  }
0xb4: {  	[tilespmem:s17+$0x5870] =	vst v1  }
0xb5: {  	[tilespmem:s17+$0x6800] =	vst v1  }
0xb6: {  	[tilespmem:s17+$0x6810] =	vst v1  }
0xb7: {  	[tilespmem:s17+$0x6820] =	vst v1  }
0xb8: {  	[tilespmem:s17+$0x6830] =	vst v1  }
0xb9: {  	[tilespmem:s17+$0x6840] =	vst v1  }
0xba: {  	[tilespmem:s17+$0x6850] =	vst v1  }
0xbb: {  	[tilespmem:s17+$0x6860] =	vst v1  }
0xbc: {  	[tilespmem:s17+$0x6870] =	vst v1  }
0xbd: {  	[tilespmem:s17+$0x7800] =	vst v1  }
0xbe: {  	[tilespmem:s17+$0x7810] =	vst v1  }
0xbf: {  	[tilespmem:s17+$0x7820] =	vst v1  }
0xc0: {  	[tilespmem:s17+$0x7830] =	vst v1  }
0xc1: {  	[tilespmem:s17+$0x7840] =	vst v1  }
0xc2: {  	[tilespmem:s17+$0x7850] =	vst v1  }
0xc3: {  	[tilespmem:s17+$0x7860] =	vst v1  }
0xc4: {  	[tilespmem:s17+$0x7870] =	vst v1  }
0xc5: {  	[tilespmem:s17+$0x8800] =	vst v1  }
0xc6: {  	(v2sf) =	vpush v3, $0x0;
	[tilespmem:s17+$0x8810] =	vst v1  }
0xc7: {  	[tilespmem:s17+$0x8820] =	vst v1  }
0xc8: {  	[tilespmem:s17+$0x8830] =	vst v1  }
0xc9: {  	[tilespmem:s17+$0x8840] =	vst v1  }
0xca: {  	[tilespmem:s17+$0x8850] =	vst v1  }
0xcb: {  	[tilespmem:s17+$0x8860] =	vst v1  }
0xcc: {  	[tilespmem:s17+$0x8870] =	vst v1  }
0xcd: {  	[tilespmem:s17+$0x9800] =	vst v1  }
0xce: {  	[tilespmem:s17+$0x9810] =	vst v1  }
0xcf: {  	[tilespmem:s17+$0x9820] =	vst v1;
	s2 =	sshll.u32 s2, $0x7  }
0xd0: {  	[tilespmem:s17+$0x9830] =	vst v1;
	s2 =	sand.u32 $0xFFFFFC00, s2  }
0xd1: {  	[tilespmem:s17+$0x9840] =	vst v1;
	s24 =	simm.s32 $0x1;
	s21 =	ssub.s32 s0, s2;
	p0 =	sne.s32 s0, s2  }
0xd2: {  	[tilespmem:s17+$0x9850] =	vst v1;
	s20 =	sshra.s32 s21, $0x1F;
	s24 =	simm.s32 @!p0 $0x0  }
0xd3: {  	[tilespmem:s17+$0x9860] =	vst v1;
	s17 =	sor.u32 s24, s20;
	s24 =	sand.u32 $0xF, s0  }
0xd4: {  	p5 =	sne.s32 s17, $0x1;
	p1 =	sne.s32 s24, $0x0  }
0xd5: {  	p0 =	por !p1, !p5;
	s23 =	spop (v2sf)  }
0xd6: {  	p0 =	por !p0, !p0;
	_ =	swait.ge [sflag:s19], $0xC00;
	s23 =	ssub.s32 s23, s2  }
0xd7: {  	s2 =	sshrl.u32 s20, $0x1C;
	[sflag:s19] =	ssyncset.done $0x0;
	s20 =	sadd.s32 $0xF, s23  }
0xd8: {  	s17 =	sadd.s32 s2, s21;
	s24 =	sand.u32 $0xF, s20;
	p6 =	slt.s32 s20, $0x1  }
0xd9: {  	s0 =	sshra.s32 s17, $0x4;
	p2 =	sne.s32 s24, $0x0;
	s24 =	sshra.s32 s20, $0x1F  }
0xda: {  	s17 =	simm.s32 $0x1;
	p1 =	por !p6, !p2;
	s2 =	sshrl.u32 s24, $0x1C  }
0xdb: {  	s2 =	sadd.s32 s2, s20;
	p1 =	por !p1, !p1;
	s20 =	simm.s32 $0x1  }
0xdc: {  	s17 =	simm.s32 @!p0 $0x0;
	s2 =	sshra.s32 s2, $0x4;
	s20 =	simm.s32 @!p1 $0x0  }
0xdd: {  	[sflag:s19] =	ssyncadd.s32 $0xFFFFF400;
	s17 =	ssub.s32 s0, s17;
	s0 =	ssub.s32 s2, s20  }
0xde: {  	_ =	swait.ge [sflag:s19], $0xC00;
	p0 =	sge.s32 s17, s0  }
.Ltmp3:
0xdf: {  	[sflag:s19] =	ssyncset.done $0x0;
	(pc) =	sbr.rel @p0 .LBB2_7-.Ltmp3, $4  }
0xe0: {  	[sflag:s19] =	ssyncadd.s32 $0xFFFFF400  }
0xe1: {  	_ =	swait.ge [sflag:s19], $0xC00  }
0xe2: {  	[sflag:s19] =	ssyncset.done $0x0  }
0xe3: {  	[sflag:s19] =	ssyncadd.s32 $0xFFFFF400  }
0xe4: {  	s2 =	sshra.s32 s17, $0x1F  }
0xe5: {  	s2 =	sshrl.u32 s2, $0x1D  }
0xe6: {  	s2 =	sadd.s32 s2, s17  }
0xe7: {  	s20 =	sand.u32 $0xFFFFFFF8, s2  }
0xe8: {  	p0 =	slt.s32 s17, $0x1;
	p1 =	sne.s32 s17, s20  }
0xe9: {  	p0 =	por !p0, !p1  }
0xea: {  	s20 =	simm.s32 $0x1;
	p0 =	por !p0, !p0  }
0xeb: {  	s24 =	sshrl.u32 s2, $0x3;
	s20 =	simm.s32 @!p0 $0x0  }
0xec: {  	s2 =	sshll.u32 s17, $0x4;
	s20 =	ssub.s32 s24, s20  }
0xed: {  	s17 =	sadd.s32 $0x1, s17;
	s24 =	sand.u32 $0x70, s2;
	s20 =	sshll.u32 s20, $0x7  }
0xee: {  	p0 =	slt.s32 s17, s0;
	s20 =	sor.u32 s24, s20  }
.Ltmp4:
0xef: {  	v5 =	vld [tilespmem:s20+$0x0];
	(pc) =	sbr.rel @!p0 .LBB2_6-.Ltmp4, $3  }
0xf0: {  	v6 =	vld [tilespmem:s20+$0xC00];
	_ =	sdelay $0x1  }
0xf1: {  	v3 =	vmov s21;
	v4 =	vmov s23;
	v7 =	vor.u32 s2, v2  }
0xf2: {  	vm0 =	vge.s32 v7, v3;
	vm1 =	vlt.s32 v7, v4  }
.LBB2_5:
0xf3: {  	s21 =	sshra.s32 s17, $0x1F;
	vm0 =	vmand vm0, vm1;
	s23 =	smov.u32 s17  }
0xf4: {  	s17 =	sadd.s32 $0x1, s17;
	v5 =	vsub.s32 v5, v0;
	s21 =	sshrl.u32 s21, $0x1D;
	v6 =	vnsel vm0, $0x0, v6  }
0xf5: {  	p0 =	slt.s32 s17, s0;
	v5 =	vshll.u32 v5, $0x7;
	s21 =	sadd.s32 s21, s23;
	v7 =	vshll.u32 v6, $0x5  }
0xf6: {  	v5 =	vnsel vm0, $0x0, v5;
	s24 =	sand.u32 $0xFFFFFFF8, s21;
	v7 =	vand.u32 $0xFFFFF000, v7  }
0xf7: {  	p1 =	slt.s32 s23, $0x1;
	v6 =	vand.u32 $0x7F, v6;
	p2 =	sne.s32 s23, s24;
	v5 =	vadd.s32 v5, v7  }
0xf8: {  	p1 =	por !p1, !p2;
	v7 =	vld [tilespmem:s20+$0x1800];
	v5 =	vor.u32 v6, v5  }
0xf9: {  	s20 =	sshrl.u32 s21, $0x3;
	s21 =	simm.s32 $0x1;
	p1 =	por !p1, !p1  }
0xfa: {  	s21 =	simm.s32 @!p1 $0x0  }
0xfb: {  	s2 =	sadd.s32 $0x10, s2;
	s20 =	ssub.s32 s20, s21  }
0xfc: {  	s21 =	sand.u32 $0x70, s2;
	s20 =	sshll.u32 s20, $0x7  }
0xfd: {  	s20 =	sor.u32 s21, s20;
	[tilespmem:v5+s22+$0x0] =	vst.idx.msk vm0, v7  }
.Ltmp5:
0xfe: {  	v5 =	vld [tilespmem:s20+$0x0];
	(pc) =	sbr.rel @p0 .LBB2_5-.Ltmp5, $3  }
0xff: {  	v6 =	vld [tilespmem:s20+$0xC00];
	_ =	sdelay $0x1  }
0x100: {  	v7 =	vor.u32 s2, v2  }
0x101: {  	vm0 =	vge.s32 v7, v3;
	vm1 =	vlt.s32 v7, v4  }
.Ltmp6:
0x102: {  	_ = 	snop;
	(pc) =	sbr.rel .LBB2_6-.Ltmp6, $1  }
0x103: {  	_ =	sdelay $0x3  }
.LBB2_8:
0x104: {  	_ =	sfence.sel $0x180000  }
0x105: {  	[bflag:$0x0] =	sbarrier.arrive $0xFFFF  }
0x106: {  	_ =	strace $0x90000047  }
0x107: {  	s0 =	stileid.u32;
	[bflag:$0x2] =	sbarrier.arrive $0xFFFF  }
0x108: {  	p0 =	sne.s32 s0, $0x0;
	s0 =	rddreg [dreg:$0x2]  }
0x109: {  	s0 =	sadd.s32 @!p0 $0x100000, s0  }
0x10a: {  	[sflag:s0] =	ssyncadd.tile.s32 @!p0 $0x1;
	_ =	shalt  }
.Lfunc_end2:
_tile_overlayer_lowered:
.L_overlay_start_2:
0x10b: {  	(tag) =	ssettag $0x2  }
0x10c: {  	s0 =	rddreg [dreg:$0x0];
	s2 =	stileid.u32  }
0x10d: {  	s1 =	rddreg [dreg:$0x1];
	p0 =	sne.s32 s2, $0x0  }
0x10e: {  	s3 =	rddreg [dreg:$0x2];
	[bflag:$0x3] =	sbarrier.arrive $0xFFFF;
	s2 =	simm.s32 @!p0 $0x1C02  }
0x10f: {  	[timem:s3], [sflag:s2] =	dma.local @!p0 [hbm:s0], s1  }
0x110: {  	s0 =	simm.s32 @!p0 $0x2  }
0x111: {  	_ =	swait.ge @!p0 [sflag:s0], s1  }
0x112: {  	s1 =	ssub.s32 @!p0 $0x0, s1;
	[sflag:s0] =	ssyncset.done @!p0 $0x0  }
0x113: {  	[sflag:s0] =	ssyncadd.s32 @!p0 s1  }
0x114: {  	[bflag:$0x3] =	sbarrier.arrive $0xFFFF  }
0x115: {  	_ =	shalt  }

</sc_bundles>
